<compile_context>
chip_gen: v7x
topology: tpu7x:2x2x1
jax: 0.10.2.dev20260603
libtpu: 0.0.44.dev20260713+nightly
codegen_flags: <defaults>
</compile_context>

<pallas_src>
import functools

import jax
import jax.numpy as jnp
from jax import lax
from jax.experimental import pallas as pl
from jax.experimental.pallas import tpu as pltpu
from jax.experimental.pallas import tpu_sc as plsc

_H = 128
_SLOTS = 512
_VOCAB = 128
_B = 256
_NW = 32
_SCB = 32
_BPW = _SCB // _NW
_CH = 256
_NCH = _SLOTS // _CH
_G = 2
_NEG = -1e30

_BB = 16
_NSPLIT = 4
_NBUF = 3



def _qk_body(query_ref, wq_ref, bq_ref, wk_ref, out_ref):
    q = jax.lax.dot_general(query_ref[...], wq_ref[...],
                            (((1,), (1,)), ((), ())),
                            preferred_element_type=jnp.float32) + bq_ref[...]
    out_ref[...] = jax.lax.dot_general(q, wk_ref[...],
                                       (((1,), (0,)), ((), ())),
                                       preferred_element_type=jnp.float32)


def _logits_body(retr_ref, query_ref, wout_ref, bout_ref, out_ref):
    x = retr_ref[...] + query_ref[...]
    out_ref[...] = jax.lax.dot_general(
        x, wout_ref[...], (((1,), (1,)), ((), ())),
        preferred_element_type=jnp.float32) + bout_ref[...]


def _tc_attn_body(scal_ref, enc_ref, query_ref, wq_ref, bq_ref, wk_ref,
                  bk_ref, wout_ref, bout_ref, out_ref, buf_ref, sem_ref):
    L = scal_ref[0]
    w0 = scal_ref[1]
    nblk = pl.num_programs(0)
    i = pl.program_id(0)
    scale = 1.0 / (_H ** 0.5)

    def window_copies(blk, slot):
        sub = _BB // _NSPLIT
        return [
            pltpu.make_async_copy(
                enc_ref.at[pl.ds(_SCB + blk * _BB + j * sub, sub),
                           pl.ds(w0, _SLOTS), :],
                buf_ref.at[slot, pl.ds(j * sub, sub)],
                sem_ref.at[slot, j],
            )
            for j in range(_NSPLIT)
        ]

    @pl.when(i == 0)
    def _():
        for c in window_copies(0, 0):
            c.start()
        for c in window_copies(1, 1):
            c.start()

    @pl.when(i + 2 < nblk)
    def _():
        for c in window_copies(i + 2, (i + 2) % _NBUF):
            c.start()

    query = query_ref[...]
    q = jax.lax.dot_general(query, wq_ref[...], (((1,), (1,)), ((), ())),
                            preferred_element_type=jnp.float32) + bq_ref[...]
    qk = jax.lax.dot_general(q, wk_ref[...], (((1,), (0,)), ((), ())),
                             preferred_element_type=jnp.float32)
    qb = jnp.sum(q * bk_ref[...], axis=1, keepdims=True)

    for c in window_copies(i, i % _NBUF):
        c.wait()
    win = buf_ref[i % _NBUF]
    row = jax.lax.broadcasted_iota(jnp.int32, (1, _SLOTS), 1)
    written = (w0 + row) < L

    dots = jnp.concatenate([
        jax.lax.dot_general(qk[b:b + 1], win[b], (((1,), (1,)), ((), ())),
                            preferred_element_type=jnp.float32)
        for b in range(_BB)
    ], axis=0)
    scores = (jnp.where(written, dots, 0.0) + qb) * scale
    m = jnp.max(scores, axis=1, keepdims=True)
    p = jnp.exp(scores - m)
    denom = jnp.sum(p, axis=1, keepdims=True)
    w = jnp.where(written, p, 0.0) / denom
    retrieved = jnp.concatenate([
        jax.lax.dot_general(w[b:b + 1], win[b], (((1,), (0,)), ((), ())),
                            preferred_element_type=jnp.float32)
        for b in range(_BB)
    ], axis=0)

    x = retrieved + query
    out_ref[...] = jax.lax.dot_general(
        x, wout_ref[...], (((1,), (1,)), ((), ())),
        preferred_element_type=jnp.float32) + bout_ref[...]



def _sc_attn_body(enc_hbm, qk_hbm, scal_hbm, retr_hbm,
                  qk_v, scal_v, buf0, buf1, out_v, sem0, sem1):
    wid = lax.axis_index("s") * 2 + lax.axis_index("c")
    base = wid * _BPW
    scale = 1.0 / (_H ** 0.5)

    pltpu.sync_copy(scal_hbm, scal_v)
    pltpu.sync_copy(qk_hbm.at[pl.ds(base, _BPW)], qk_v)
    sv = scal_v[...]
    L = sv[0]
    w0 = pl.multiple_of(sv[1], 8)
    Lvec = jnp.full((16,), L, jnp.int32)
    nzero = jnp.maximum(512 - jnp.minimum(L, 512), 0).astype(jnp.float32)
    nzvec = jnp.full((16,), nzero, jnp.float32)

    bufs = (buf0, buf1)
    sems = (sem0, sem1)

    def lane_sum(x):
        return jnp.full((16,), jnp.sum(x), x.dtype)

    def start_chunk(b, ch, k):
        pltpu.make_async_copy(
            enc_hbm.at[base + b, pl.ds(w0 + ch * _CH, _CH), :],
            bufs[k], sems[k]).start()

    def wait_chunk(k):
        pltpu.make_async_copy(
            enc_hbm.at[0, pl.ds(0, _CH), :], bufs[k], sems[k]).wait()

    start_chunk(0, 0, 0)

    zero = jnp.zeros((16,), jnp.float32)
    for b in range(_BPW):
        qkv = [qk_v[b, pl.ds(g * 16, 16)] for g in range(8)]
        m0 = jnp.full((16,), _NEG, jnp.float32)
        carry = (m0, zero) + tuple(zero for _ in range(8))
        for ch in range(_NCH):
            k = (b * _NCH + ch) % 2
            nxt = b * _NCH + ch + 1
            if nxt < _BPW * _NCH:
                start_chunk(nxt // _NCH, nxt % _NCH, 1 - k)
            wait_chunk(k)
            mem = bufs[k]
            row0 = w0 + ch * _CH

            def group_body(g_idx, c, mem=mem, row0=row0, qkv=qkv):
                m, l = c[0], c[1]
                accs = list(c[2:])
                rows = []
                svecs = []
                for j in range(_G):
                    r = g_idx * _G + j
                    rv = [mem[r, pl.ds(g * 16, 16)] for g in range(8)]
                    rows.append(rv)
                    d = rv[0] * qkv[0]
                    for g in range(1, 8):
                        d = d + rv[g] * qkv[g]
                    s_all = lane_sum(d) * scale
                    gidx = row0 + r
                    ok = jnp.full((16,), gidx, jnp.int32) < Lvec
                    svecs.append(jnp.where(ok, s_all, _NEG))
                gm = svecs[0]
                for sv2 in svecs[1:]:
                    gm = jnp.maximum(gm, sv2)
                mn = jnp.maximum(m, gm)
                cfac = jnp.exp(m - mn)
                ps = [jnp.exp(sv2 - mn) for sv2 in svecs]
                psum = ps[0]
                for p2 in ps[1:]:
                    psum = psum + p2
                lnew = l * cfac + psum
                new_accs = []
                for g in range(8):
                    a = accs[g] * cfac
                    for j in range(_G):
                        a = a + ps[j] * rows[j][g]
                    new_accs.append(a)
                return (mn, lnew) + tuple(new_accs)

            carry = lax.fori_loop(0, _CH // _G, group_body, carry)

        m, l = carry[0], carry[1]
        mz = jnp.where(nzvec > 0, jnp.maximum(m, zero), m)
        adj = jnp.exp(m - mz)
        l = l * adj + nzvec * jnp.exp(zero - mz)
        inv = 1.0 / l
        for g in range(8):
            out_v[b, pl.ds(g * 16, 16)] = carry[2 + g] * adj * inv

    pltpu.sync_copy(out_v, retr_hbm.at[pl.ds(base, _BPW)])



@functools.partial(jax.jit, static_argnums=())
def kernel(enc_hidden, query_hidden, Wq, bq, Wk, bk, Wout, bout, num_pairs):
    B, T, H = enc_hidden.shape
    L = jnp.minimum(jnp.asarray(num_pairs, jnp.int32) * 2, T - 3)
    w0 = jnp.maximum(L - _SLOTS, 0)
    scal16 = jnp.zeros((16,), jnp.int32).at[0].set(L).at[1].set(w0)
    scal2 = jnp.stack([L, w0]).astype(jnp.int32)
    bq2 = bq.reshape(1, H)
    bout2 = bout.reshape(1, _VOCAB)

    qk_sc = pl.pallas_call(
        _qk_body,
        grid=(1,),
        in_specs=[pl.BlockSpec((_SCB, H), lambda i: (0, 0)),
                  pl.BlockSpec((H, H), lambda i: (0, 0)),
                  pl.BlockSpec((1, H), lambda i: (0, 0)),
                  pl.BlockSpec((H, H), lambda i: (0, 0))],
        out_specs=pl.BlockSpec((_SCB, H), lambda i: (0, 0)),
        out_shape=jax.ShapeDtypeStruct((_SCB, H), jnp.float32),
    )(query_hidden, Wq, bq2, Wk)

    mesh = plsc.VectorSubcoreMesh(core_axis_name="c", subcore_axis_name="s")
    retr_sc = pl.kernel(
        _sc_attn_body,
        mesh=mesh,
        compiler_params=pltpu.CompilerParams(needs_layout_passes=False),
        out_type=jax.ShapeDtypeStruct((_SCB, H), jnp.float32),
        scratch_types=[
            pltpu.VMEM((_BPW, H), jnp.float32),
            pltpu.VMEM((16,), jnp.int32),
            pltpu.VMEM((_CH, H), jnp.float32),
            pltpu.VMEM((_CH, H), jnp.float32),
            pltpu.VMEM((_BPW, H), jnp.float32),
            pltpu.SemaphoreType.DMA,
            pltpu.SemaphoreType.DMA,
        ],
    )(enc_hidden, qk_sc, scal16)

    logits_tc = pl.pallas_call(
        _tc_attn_body,
        grid=((B - _SCB) // _BB,),
        in_specs=[
            pl.BlockSpec(memory_space=pltpu.SMEM),
            pl.BlockSpec(memory_space=pl.ANY),
            pl.BlockSpec((_BB, H), lambda i: (i + _SCB // _BB, 0)),
            pl.BlockSpec((H, H), lambda i: (0, 0)),
            pl.BlockSpec((1, H), lambda i: (0, 0)),
            pl.BlockSpec((H, H), lambda i: (0, 0)),
            pl.BlockSpec((1, H), lambda i: (0, 0)),
            pl.BlockSpec((_VOCAB, H), lambda i: (0, 0)),
            pl.BlockSpec((1, _VOCAB), lambda i: (0, 0)),
        ],
        out_specs=pl.BlockSpec((_BB, _VOCAB), lambda i: (i, 0)),
        out_shape=jax.ShapeDtypeStruct((B - _SCB, _VOCAB), jnp.float32),
        scratch_shapes=[
            pltpu.VMEM((_NBUF, _BB, _SLOTS, H), jnp.float32),
            pltpu.SemaphoreType.DMA((_NBUF, _NSPLIT)),
        ],
    )(scal2, enc_hidden, query_hidden, Wq, bq2, Wk, bk.reshape(1, H),
      Wout, bout2)

    logits_sc = pl.pallas_call(
        _logits_body,
        grid=(1,),
        in_specs=[pl.BlockSpec((_SCB, H), lambda i: (0, 0)),
                  pl.BlockSpec((_SCB, H), lambda i: (0, 0)),
                  pl.BlockSpec((_VOCAB, H), lambda i: (0, 0)),
                  pl.BlockSpec((1, _VOCAB), lambda i: (0, 0))],
        out_specs=pl.BlockSpec((_SCB, _VOCAB), lambda i: (0, 0)),
        out_shape=jax.ShapeDtypeStruct((_SCB, _VOCAB), jnp.float32),
    )(retr_sc, query_hidden, Wout, bout2)

    return jnp.concatenate([logits_sc, logits_tc], axis=0)

# --- scband reference (transcript-rebuilt; emitter-appended) ---
"""Pipeline reference for scband-capacity-test-memory-35270271435169 (READ-ONLY COPY).

The authoritative reference and input builder live on the scoring server;
editing this copy changes nothing except your own understanding.
"""

import jax, jax.numpy as jnp
import numpy as np

HIDDEN_DIM = 128
MEMORY_SLOTS = 512
VOCAB_SIZE = 128

def setup_inputs(seed: int = 0) -> dict:
    key = jax.random.key(seed)
    ks = jax.random.split(key, 8)
    B, T, H = 256, 1024, HIDDEN_DIM
    enc_hidden = jax.random.normal(ks[0], (B, T, H), dtype=jnp.float32)
    query_hidden = jax.random.normal(ks[1], (B, H), dtype=jnp.float32)
    s = 1.0 / np.sqrt(H)
    Wq = jax.random.uniform(ks[2], (H, H), minval=-s, maxval=s, dtype=jnp.float32)
    bq = jax.random.uniform(ks[3], (H,), minval=-s, maxval=s, dtype=jnp.float32)
    Wk = jax.random.uniform(ks[4], (H, H), minval=-s, maxval=s, dtype=jnp.float32)
    bk = jax.random.uniform(ks[5], (H,), minval=-s, maxval=s, dtype=jnp.float32)
    Wout = jax.random.uniform(ks[6], (VOCAB_SIZE, H), minval=-s, maxval=s, dtype=jnp.float32)
    bout = jax.random.uniform(ks[7], (VOCAB_SIZE,), minval=-s, maxval=s, dtype=jnp.float32)
    return {"enc_hidden": enc_hidden, "query_hidden": query_hidden,
            "Wq": Wq, "bq": bq, "Wk": Wk, "bk": bk, "Wout": Wout, "bout": bout,
            "num_pairs": 400}

def reference(enc_hidden, query_hidden, Wq, bq, Wk, bk, Wout, bout, num_pairs):
    B, T, H = enc_hidden.shape
    slots = MEMORY_SLOTS
    # torch loop: for pos in range(min(num_pairs*2, T-3)): memory[:, pos % slots] = enc_hidden[:, pos]
    # Last writer wins per slot (circular buffer). Compute last write position per slot.
    L = jnp.minimum(num_pairs * 2, T - 3)
    s_idx = jnp.arange(slots)
    raw_pos = s_idx + ((L - 1 - s_idx) // slots) * slots  # last pos with pos % slots == s, pos < L
    pos = jnp.clip(raw_pos, 0, T - 1)
    written = s_idx < L
    gathered = jnp.take(enc_hidden, pos, axis=1)  # (B, slots, H)
    memory = jnp.where(written[None, :, None], gathered, jnp.zeros((), dtype=enc_hidden.dtype))
    # read attention (read_mode='softmax')
    q = query_hidden @ Wq.T + bq              # (B, H)
    k = memory @ Wk.T + bk                    # (B, slots, H)
    raw = jnp.einsum('bh,bsh->bs', q, k) / (H ** 0.5)
    attn = jax.nn.softmax(raw, axis=-1)       # (B, slots)
    retrieved = jnp.einsum('bs,bsh->bh', attn, memory)  # (B, H)
    logits = (retrieved + query_hidden) @ Wout.T + bout  # (B, VOCAB_SIZE)
    return logits

if __name__ == "__main__":
    import jax
    _d = setup_inputs()
    print(jax.jit(kernel)(*tuple(_d.values())))

</pallas_src>

<mosaic_0001>
#map = affine_map<(d0, d1) -> (0, 0, 0)>
#map1 = affine_map<(d0, d1) -> (0, 0)>
#map2 = affine_map<(d0, d1) -> (0)>
module attributes {stable_mosaic.version = 14 : i64} {
  func.func @_sc_attn_body(%arg0: i32, %arg1: i32, %arg2: memref<256x1024x128xf32, #tpu.memory_space<hbm>>, %arg3: memref<32x128xf32, #tpu.memory_space<hbm>>, %arg4: memref<16xi32, #tpu.memory_space<hbm>>, %arg5: memref<32x128xf32, #tpu.memory_space<hbm>>, %arg6: memref<1x128xf32, #tpu.memory_space<vmem>>, %arg7: memref<16xi32, #tpu.memory_space<vmem>>, %arg8: memref<256x128xf32, #tpu.memory_space<vmem>>, %arg9: memref<256x128xf32, #tpu.memory_space<vmem>>, %arg10: memref<1x128xf32, #tpu.memory_space<vmem>>, %arg11: memref<!tpu.dma_semaphore, #tpu.memory_space<semaphore_mem>>, %arg12: memref<!tpu.dma_semaphore, #tpu.memory_space<semaphore_mem>>) attributes {dimension_semantics = [#tpu.dimension_semantics<core_parallel>, #tpu.dimension_semantics<subcore_parallel>], iteration_bounds = array<i64: 2, 16>, scalar_prefetch = 0 : i64, scratch_operands = 7 : i64, tpu.core_type = #tpu.core_type<sc_vector_subcore>, window_params = [{transform_indices = #map}, {transform_indices = #map1}, {transform_indices = #map2}, {transform_indices = #map1}]} {
    %mul3A = arith.constant 2 : i32
    %mul3A_0 = arith.muli %arg1, %mul3A : i32
    %add3A = arith.addi %mul3A_0, %arg0 : i32
    %mul3A_1 = arith.constant 1 : i32
    %mul3A_2 = arith.muli %add3A, %mul3A_1 : i32
    "tpu.region"() ({
      %run_scoped3A = tpu.sem_alloc : memref<!tpu.dma_semaphore, #tpu.memory_space<semaphore_mem>>
      tpu.enqueue_dma source(%arg4 : memref<16xi32, #tpu.memory_space<hbm>>) target(%arg7 : memref<16xi32, #tpu.memory_space<vmem>>) target_semaphore(%run_scoped3A : memref<!tpu.dma_semaphore, #tpu.memory_space<semaphore_mem>>)
      tpu.wait_dma2 semaphore(%run_scoped3A : memref<!tpu.dma_semaphore, #tpu.memory_space<semaphore_mem>>) src(%arg4 : memref<16xi32, #tpu.memory_space<hbm>>) dst(%arg7 : memref<16xi32, #tpu.memory_space<vmem>>)
      tpu.yield
    }) : () -> ()
    "tpu.region"() ({
      %run_scoped3A = tpu.sem_alloc : memref<!tpu.dma_semaphore, #tpu.memory_space<semaphore_mem>>
      %dma_start3A_155 = arith.constant 0 : i32
      %dma_start3A_156 = tpu.memref_slice %arg3[%mul3A_2, %dma_start3A_155] : memref<32x128xf32, #tpu.memory_space<hbm>> -> memref<1x128xf32, #tpu.memory_space<hbm>>
      %dma_start3A_157 = arith.constant 0 : i32
      %dma_start3A_158 = tpu.memref_slice %arg3[%mul3A_2, %dma_start3A_157] : memref<32x128xf32, #tpu.memory_space<hbm>> -> memref<1x128xf32, #tpu.memory_space<hbm>>
      tpu.enqueue_dma source(%dma_start3A_158 : memref<1x128xf32, #tpu.memory_space<hbm>>) target(%arg6 : memref<1x128xf32, #tpu.memory_space<vmem>>) target_semaphore(%run_scoped3A : memref<!tpu.dma_semaphore, #tpu.memory_space<semaphore_mem>>)
      %dma_wait3A_159 = arith.constant 0 : i32
      %dma_wait3A_160 = tpu.memref_slice %arg3[%mul3A_2, %dma_wait3A_159] : memref<32x128xf32, #tpu.memory_space<hbm>> -> memref<1x128xf32, #tpu.memory_space<hbm>>
      %dma_wait3A_161 = arith.constant 0 : i32
      %dma_wait3A_162 = tpu.memref_slice %arg3[%mul3A_2, %dma_wait3A_161] : memref<32x128xf32, #tpu.memory_space<hbm>> -> memref<1x128xf32, #tpu.memory_space<hbm>>
      tpu.wait_dma2 semaphore(%run_scoped3A : memref<!tpu.dma_semaphore, #tpu.memory_space<semaphore_mem>>) src(%dma_wait3A_162 : memref<1x128xf32, #tpu.memory_space<hbm>>) dst(%arg6 : memref<1x128xf32, #tpu.memory_space<vmem>>)
      tpu.yield
    }) : () -> ()
    %get3A = arith.constant 0 : index
    %get3A_3 = tpu.vector_load %arg7[%get3A] {strides = array<i32>} : memref<16xi32, #tpu.memory_space<vmem>>, vector<16xi32>,
    %slice3A = vector.extract_strided_slice %get3A_3 {offsets = [0], sizes = [1], strides = [1]} : vector<16xi32> to vector<1xi32>
    %squeeze3A = vector.extract %slice3A[0] : i32 from vector<1xi32>
    %slice3A_4 = vector.extract_strided_slice %get3A_3 {offsets = [1], sizes = [1], strides = [1]} : vector<16xi32> to vector<1xi32>
    %squeeze3A_5 = vector.extract %slice3A_4[0] : i32 from vector<1xi32>
    %multiple_of3A = tpu.assume_multiple %squeeze3A_5, 8 : i32
    %broadcast_in_dim3A = vector.broadcast %squeeze3A : i32 to vector<16xi32>
    %min3A = arith.constant 512 : i32
    %min3A_6 = arith.minsi %squeeze3A, %min3A : i32
    %sub3A = arith.constant 512 : i32
    %sub3A_7 = arith.subi %sub3A, %min3A_6 : i32
    %max3A = arith.constant 0 : i32
    %max3A_8 = arith.maxsi %sub3A_7, %max3A : i32
    %convert_element_type3A = arith.sitofp %max3A_8 : i32 to f32
    %broadcast_in_dim3A_9 = vector.broadcast %convert_element_type3A : f32 to vector<16xf32>
    %add3A_10 = arith.constant 0 : i32
    %add3A_11 = arith.addi %mul3A_2, %add3A_10 : i32
    %add3A_12 = arith.constant 0 : i32
    %add3A_13 = arith.addi %multiple_of3A, %add3A_12 : i32
    %dma_start3A = arith.constant 0 : i32
    %dma_start3A_14 = tpu.memref_slice %arg2[%add3A_11, %add3A_13, %dma_start3A] : memref<256x1024x128xf32, #tpu.memory_space<hbm>> -> memref<1x256x128xf32, #tpu.memory_space<hbm>>
    %dma_start3A_15 = tpu.memref_squeeze %dma_start3A_14 : memref<1x256x128xf32, #tpu.memory_space<hbm>> -> memref<256x128xf32, #tpu.memory_space<hbm>>
    %dma_start3A_16 = arith.constant 0 : i32
    %dma_start3A_17 = tpu.memref_slice %arg2[%add3A_11, %add3A_13, %dma_start3A_16] : memref<256x1024x128xf32, #tpu.memory_space<hbm>> -> memref<1x256x128xf32, #tpu.memory_space<hbm>>
    %dma_start3A_18 = tpu.memref_squeeze %dma_start3A_17 : memref<1x256x128xf32, #tpu.memory_space<hbm>> -> memref<256x128xf32, #tpu.memory_space<hbm>>
    tpu.enqueue_dma source(%dma_start3A_18 : memref<256x128xf32, #tpu.memory_space<hbm>>) target(%arg8 : memref<256x128xf32, #tpu.memory_space<vmem>>) target_semaphore(%arg11 : memref<!tpu.dma_semaphore, #tpu.memory_space<semaphore_mem>>)
    %broadcast_in_dim3A_19 = arith.constant 0.000000e+00 : f32
    %broadcast_in_dim3A_20 = vector.broadcast %broadcast_in_dim3A_19 : f32 to vector<16xf32>
    %get3A_21 = arith.constant 0 : i32
    %get3A_22 = arith.index_cast %get3A_21 : i32 to index
    %get3A_23 = arith.constant 0 : index
    %get3A_24 = tpu.vector_load %arg6[%get3A_22, %get3A_23] {strides = array<i32>} : memref<1x128xf32, #tpu.memory_space<vmem>>, vector<16xf32>,
    %get3A_25 = arith.constant 0 : i32
    %get3A_26 = arith.index_cast %get3A_25 : i32 to index
    %get3A_27 = arith.constant 16 : index
    %get3A_28 = tpu.vector_load %arg6[%get3A_26, %get3A_27] {strides = array<i32>} : memref<1x128xf32, #tpu.memory_space<vmem>>, vector<16xf32>,
    %get3A_29 = arith.constant 0 : i32
    %get3A_30 = arith.index_cast %get3A_29 : i32 to index
    %get3A_31 = arith.constant 32 : index
    %get3A_32 = tpu.vector_load %arg6[%get3A_30, %get3A_31] {strides = array<i32>} : memref<1x128xf32, #tpu.memory_space<vmem>>, vector<16xf32>,
    %get3A_33 = arith.constant 0 : i32
    %get3A_34 = arith.index_cast %get3A_33 : i32 to index
    %get3A_35 = arith.constant 48 : index
    %get3A_36 = tpu.vector_load %arg6[%get3A_34, %get3A_35] {strides = array<i32>} : memref<1x128xf32, #tpu.memory_space<vmem>>, vector<16xf32>,
    %get3A_37 = arith.constant 0 : i32
    %get3A_38 = arith.index_cast %get3A_37 : i32 to index
    %get3A_39 = arith.constant 64 : index
    %get3A_40 = tpu.vector_load %arg6[%get3A_38, %get3A_39] {strides = array<i32>} : memref<1x128xf32, #tpu.memory_space<vmem>>, vector<16xf32>,
    %get3A_41 = arith.constant 0 : i32
    %get3A_42 = arith.index_cast %get3A_41 : i32 to index
    %get3A_43 = arith.constant 80 : index
    %get3A_44 = tpu.vector_load %arg6[%get3A_42, %get3A_43] {strides = array<i32>} : memref<1x128xf32, #tpu.memory_space<vmem>>, vector<16xf32>,
    %get3A_45 = arith.constant 0 : i32
    %get3A_46 = arith.index_cast %get3A_45 : i32 to index
    %get3A_47 = arith.constant 96 : index
    %get3A_48 = tpu.vector_load %arg6[%get3A_46, %get3A_47] {strides = array<i32>} : memref<1x128xf32, #tpu.memory_space<vmem>>, vector<16xf32>,
    %get3A_49 = arith.constant 0 : i32
    %get3A_50 = arith.index_cast %get3A_49 : i32 to index
    %get3A_51 = arith.constant 112 : index
    %get3A_52 = tpu.vector_load %arg6[%get3A_50, %get3A_51] {strides = array<i32>} : memref<1x128xf32, #tpu.memory_space<vmem>>, vector<16xf32>,
    %broadcast_in_dim3A_53 = arith.constant -1.000000e+30 : f32
    %broadcast_in_dim3A_54 = vector.broadcast %broadcast_in_dim3A_53 : f32 to vector<16xf32>
    %add3A_55 = arith.constant 0 : i32
    %add3A_56 = arith.addi %mul3A_2, %add3A_55 : i32
    %add3A_57 = arith.constant 256 : i32
    %add3A_58 = arith.addi %multiple_of3A, %add3A_57 : i32
    %dma_start3A_59 = arith.constant 0 : i32
    %dma_start3A_60 = tpu.memref_slice %arg2[%add3A_56, %add3A_58, %dma_start3A_59] : memref<256x1024x128xf32, #tpu.memory_space<hbm>> -> memref<1x256x128xf32, #tpu.memory_space<hbm>>
    %dma_start3A_61 = tpu.memref_squeeze %dma_start3A_60 : memref<1x256x128xf32, #tpu.memory_space<hbm>> -> memref<256x128xf32, #tpu.memory_space<hbm>>
    %dma_start3A_62 = arith.constant 0 : i32
    %dma_start3A_63 = tpu.memref_slice %arg2[%add3A_56, %add3A_58, %dma_start3A_62] : memref<256x1024x128xf32, #tpu.memory_space<hbm>> -> memref<1x256x128xf32, #tpu.memory_space<hbm>>
    %dma_start3A_64 = tpu.memref_squeeze %dma_start3A_63 : memref<1x256x128xf32, #tpu.memory_space<hbm>> -> memref<256x128xf32, #tpu.memory_space<hbm>>
    tpu.enqueue_dma source(%dma_start3A_64 : memref<256x128xf32, #tpu.memory_space<hbm>>) target(%arg9 : memref<256x128xf32, #tpu.memory_space<vmem>>) target_semaphore(%arg12 : memref<!tpu.dma_semaphore, #tpu.memory_space<semaphore_mem>>)
    %dma_wait3A = arith.constant 0 : i32
    %dma_wait3A_65 = arith.constant 0 : i32
    %dma_wait3A_66 = arith.constant 0 : i32
    %dma_wait3A_67 = tpu.memref_slice %arg2[%dma_wait3A, %dma_wait3A_65, %dma_wait3A_66] : memref<256x1024x128xf32, #tpu.memory_space<hbm>> -> memref<1x256x128xf32, #tpu.memory_space<hbm>>
    %dma_wait3A_68 = tpu.memref_squeeze %dma_wait3A_67 : memref<1x256x128xf32, #tpu.memory_space<hbm>> -> memref<256x128xf32, #tpu.memory_space<hbm>>
    %dma_wait3A_69 = arith.constant 0 : i32
    %dma_wait3A_70 = arith.constant 0 : i32
    %dma_wait3A_71 = tpu.memref_slice %arg2[%dma_wait3A, %dma_wait3A_69, %dma_wait3A_70] : memref<256x1024x128xf32, #tpu.memory_space<hbm>> -> memref<1x256x128xf32, #tpu.memory_space<hbm>>
    %dma_wait3A_72 = tpu.memref_squeeze %dma_wait3A_71 : memref<1x256x128xf32, #tpu.memory_space<hbm>> -> memref<256x128xf32, #tpu.memory_space<hbm>>
    tpu.wait_dma2 semaphore(%arg11 : memref<!tpu.dma_semaphore, #tpu.memory_space<semaphore_mem>>) src(%dma_wait3A_72 : memref<256x128xf32, #tpu.memory_space<hbm>>) dst(%arg8 : memref<256x128xf32, #tpu.memory_space<vmem>>)
    %add3A_73 = arith.constant 0 : i32
    %add3A_74 = arith.addi %multiple_of3A, %add3A_73 : i32
    %scan3A = arith.constant 0 : i32
    %scan3A_75 = arith.constant 128 : i32
    %scan3A_76 = arith.addi %scan3A, %scan3A_75 : i32
    %scan3A_77 = arith.constant 1 : i32
    %scan3A_78:10 = scf.for %scan3A_155 = %scan3A to %scan3A_76 step %scan3A_77 iter_args(%scan3A_156 = %broadcast_in_dim3A_54, %scan3A_157 = %broadcast_in_dim3A_20, %scan3A_158 = %broadcast_in_dim3A_20, %scan3A_159 = %broadcast_in_dim3A_20, %scan3A_160 = %broadcast_in_dim3A_20, %scan3A_161 = %broadcast_in_dim3A_20, %scan3A_162 = %broadcast_in_dim3A_20, %scan3A_163 = %broadcast_in_dim3A_20, %scan3A_164 = %broadcast_in_dim3A_20, %scan3A_165 = %broadcast_in_dim3A_20) -> (vector<16xf32>, vector<16xf32>, vector<16xf32>, vector<16xf32>, vector<16xf32>, vector<16xf32>, vector<16xf32>, vector<16xf32>, vector<16xf32>, vector<16xf32>)  : i32 {
      %mul3A_166 = arith.constant 2 : i32
      %mul3A_167 = arith.muli %scan3A_155, %mul3A_166 : i32
      %add3A_168 = arith.constant 0 : i32
      %add3A_169 = arith.addi %mul3A_167, %add3A_168 : i32
      %get3A_170 = arith.index_cast %add3A_169 : i32 to index
      %get3A_171 = arith.constant 0 : index
      %get3A_172 = tpu.vector_load %arg8[%get3A_170, %get3A_171] {strides = array<i32>} : memref<256x128xf32, #tpu.memory_space<vmem>>, vector<16xf32>,
      %get3A_173 = arith.index_cast %add3A_169 : i32 to index
      %get3A_174 = arith.constant 16 : index
      %get3A_175 = tpu.vector_load %arg8[%get3A_173, %get3A_174] {strides = array<i32>} : memref<256x128xf32, #tpu.memory_space<vmem>>, vector<16xf32>,
      %get3A_176 = arith.index_cast %add3A_169 : i32 to index
      %get3A_177 = arith.constant 32 : index
      %get3A_178 = tpu.vector_load %arg8[%get3A_176, %get3A_177] {strides = array<i32>} : memref<256x128xf32, #tpu.memory_space<vmem>>, vector<16xf32>,
      %get3A_179 = arith.index_cast %add3A_169 : i32 to index
      %get3A_180 = arith.constant 48 : index
      %get3A_181 = tpu.vector_load %arg8[%get3A_179, %get3A_180] {strides = array<i32>} : memref<256x128xf32, #tpu.memory_space<vmem>>, vector<16xf32>,
      %get3A_182 = arith.index_cast %add3A_169 : i32 to index
      %get3A_183 = arith.constant 64 : index
      %get3A_184 = tpu.vector_load %arg8[%get3A_182, %get3A_183] {strides = array<i32>} : memref<256x128xf32, #tpu.memory_space<vmem>>, vector<16xf32>,
      %get3A_185 = arith.index_cast %add3A_169 : i32 to index
      %get3A_186 = arith.constant 80 : index
      %get3A_187 = tpu.vector_load %arg8[%get3A_185, %get3A_186] {strides = array<i32>} : memref<256x128xf32, #tpu.memory_space<vmem>>, vector<16xf32>,
      %get3A_188 = arith.index_cast %add3A_169 : i32 to index
      %get3A_189 = arith.constant 96 : index
      %get3A_190 = tpu.vector_load %arg8[%get3A_188, %get3A_189] {strides = array<i32>} : memref<256x128xf32, #tpu.memory_space<vmem>>, vector<16xf32>,
      %get3A_191 = arith.index_cast %add3A_169 : i32 to index
      %get3A_192 = arith.constant 112 : index
      %get3A_193 = tpu.vector_load %arg8[%get3A_191, %get3A_192] {strides = array<i32>} : memref<256x128xf32, #tpu.memory_space<vmem>>, vector<16xf32>,
      %mul3A_194 = arith.mulf %get3A_172, %get3A_24 : vector<16xf32>
      %mul3A_195 = arith.mulf %get3A_175, %get3A_28 : vector<16xf32>
      %add3A_196 = arith.addf %mul3A_194, %mul3A_195 : vector<16xf32>
      %mul3A_197 = arith.mulf %get3A_178, %get3A_32 : vector<16xf32>
      %add3A_198 = arith.addf %add3A_196, %mul3A_197 : vector<16xf32>
      %mul3A_199 = arith.mulf %get3A_181, %get3A_36 : vector<16xf32>
      %add3A_200 = arith.addf %add3A_198, %mul3A_199 : vector<16xf32>
      %mul3A_201 = arith.mulf %get3A_184, %get3A_40 : vector<16xf32>
      %add3A_202 = arith.addf %add3A_200, %mul3A_201 : vector<16xf32>
      %mul3A_203 = arith.mulf %get3A_187, %get3A_44 : vector<16xf32>
      %add3A_204 = arith.addf %add3A_202, %mul3A_203 : vector<16xf32>
      %mul3A_205 = arith.mulf %get3A_190, %get3A_48 : vector<16xf32>
      %add3A_206 = arith.addf %add3A_204, %mul3A_205 : vector<16xf32>
      %mul3A_207 = arith.mulf %get3A_193, %get3A_52 : vector<16xf32>
      %add3A_208 = arith.addf %add3A_206, %mul3A_207 : vector<16xf32>
      %reduce_sum3A = arith.constant true
      %reduce_sum3A_209 = vector.broadcast %reduce_sum3A : i1 to vector<16xi1>
      %reduce_sum3A_210 = tpu.scan <sum>, %add3A_208 masked %reduce_sum3A_209 : vector<16xf32>, vector<16xi1> -> vector<16xf32>
      %reduce_sum3A_211 = vector.extract %reduce_sum3A_210[15] : f32 from vector<16xf32>
      %broadcast_in_dim3A_212 = vector.broadcast %reduce_sum3A_211 : f32 to vector<16xf32>
      %mul3A_213 = arith.constant 0.0883883461 : f32
      %mul3A_214 = vector.broadcast %mul3A_213 : f32 to vector<16xf32>
      %mul3A_215 = arith.mulf %broadcast_in_dim3A_212, %mul3A_214 : vector<16xf32>
      %add3A_216 = arith.addi %add3A_74, %add3A_169 : i32
      %broadcast_in_dim3A_217 = vector.broadcast %add3A_216 : i32 to vector<16xi32>
      %lt3A = arith.cmpi slt, %broadcast_in_dim3A_217, %broadcast_in_dim3A : vector<16xi32>
      %jit3A = arith.constant -1.000000e+30 : f32
      %broadcast_in_dim3A_218 = vector.broadcast %jit3A : f32 to vector<16xf32>
      %select_n3A_219 = arith.select %lt3A, %mul3A_215, %broadcast_in_dim3A_218 : vector<16xi1>, vector<16xf32>
      %mul3A_220 = arith.constant 2 : i32
      %mul3A_221 = arith.muli %scan3A_155, %mul3A_220 : i32
      %add3A_222 = arith.constant 1 : i32
      %add3A_223 = arith.addi %mul3A_221, %add3A_222 : i32
      %get3A_224 = arith.index_cast %add3A_223 : i32 to index
      %get3A_225 = arith.constant 0 : index
      %get3A_226 = tpu.vector_load %arg8[%get3A_224, %get3A_225] {strides = array<i32>} : memref<256x128xf32, #tpu.memory_space<vmem>>, vector<16xf32>,
      %get3A_227 = arith.index_cast %add3A_223 : i32 to index
      %get3A_228 = arith.constant 16 : index
      %get3A_229 = tpu.vector_load %arg8[%get3A_227, %get3A_228] {strides = array<i32>} : memref<256x128xf32, #tpu.memory_space<vmem>>, vector<16xf32>,
      %get3A_230 = arith.index_cast %add3A_223 : i32 to index
      %get3A_231 = arith.constant 32 : index
      %get3A_232 = tpu.vector_load %arg8[%get3A_230, %get3A_231] {strides = array<i32>} : memref<256x128xf32, #tpu.memory_space<vmem>>, vector<16xf32>,
      %get3A_233 = arith.index_cast %add3A_223 : i32 to index
      %get3A_234 = arith.constant 48 : index
      %get3A_235 = tpu.vector_load %arg8[%get3A_233, %get3A_234] {strides = array<i32>} : memref<256x128xf32, #tpu.memory_space<vmem>>, vector<16xf32>,
      %get3A_236 = arith.index_cast %add3A_223 : i32 to index
      %get3A_237 = arith.constant 64 : index
      %get3A_238 = tpu.vector_load %arg8[%get3A_236, %get3A_237] {strides = array<i32>} : memref<256x128xf32, #tpu.memory_space<vmem>>, vector<16xf32>,
      %get3A_239 = arith.index_cast %add3A_223 : i32 to index
      %get3A_240 = arith.constant 80 : index
      %get3A_241 = tpu.vector_load %arg8[%get3A_239, %get3A_240] {strides = array<i32>} : memref<256x128xf32, #tpu.memory_space<vmem>>, vector<16xf32>,
      %get3A_242 = arith.index_cast %add3A_223 : i32 to index
      %get3A_243 = arith.constant 96 : index
      %get3A_244 = tpu.vector_load %arg8[%get3A_242, %get3A_243] {strides = array<i32>} : memref<256x128xf32, #tpu.memory_space<vmem>>, vector<16xf32>,
      %get3A_245 = arith.index_cast %add3A_223 : i32 to index
      %get3A_246 = arith.constant 112 : index
      %get3A_247 = tpu.vector_load %arg8[%get3A_245, %get3A_246] {strides = array<i32>} : memref<256x128xf32, #tpu.memory_space<vmem>>, vector<16xf32>,
      %mul3A_248 = arith.mulf %get3A_226, %get3A_24 : vector<16xf32>
      %mul3A_249 = arith.mulf %get3A_229, %get3A_28 : vector<16xf32>
      %add3A_250 = arith.addf %mul3A_248, %mul3A_249 : vector<16xf32>
      %mul3A_251 = arith.mulf %get3A_232, %get3A_32 : vector<16xf32>
      %add3A_252 = arith.addf %add3A_250, %mul3A_251 : vector<16xf32>
      %mul3A_253 = arith.mulf %get3A_235, %get3A_36 : vector<16xf32>
      %add3A_254 = arith.addf %add3A_252, %mul3A_253 : vector<16xf32>
      %mul3A_255 = arith.mulf %get3A_238, %get3A_40 : vector<16xf32>
      %add3A_256 = arith.addf %add3A_254, %mul3A_255 : vector<16xf32>
      %mul3A_257 = arith.mulf %get3A_241, %get3A_44 : vector<16xf32>
      %add3A_258 = arith.addf %add3A_256, %mul3A_257 : vector<16xf32>
      %mul3A_259 = arith.mulf %get3A_244, %get3A_48 : vector<16xf32>
      %add3A_260 = arith.addf %add3A_258, %mul3A_259 : vector<16xf32>
      %mul3A_261 = arith.mulf %get3A_247, %get3A_52 : vector<16xf32>
      %add3A_262 = arith.addf %add3A_260, %mul3A_261 : vector<16xf32>
      %reduce_sum3A_263 = arith.constant true
      %reduce_sum3A_264 = vector.broadcast %reduce_sum3A_263 : i1 to vector<16xi1>
      %reduce_sum3A_265 = tpu.scan <sum>, %add3A_262 masked %reduce_sum3A_264 : vector<16xf32>, vector<16xi1> -> vector<16xf32>
      %reduce_sum3A_266 = vector.extract %reduce_sum3A_265[15] : f32 from vector<16xf32>
      %broadcast_in_dim3A_267 = vector.broadcast %reduce_sum3A_266 : f32 to vector<16xf32>
      %mul3A_268 = arith.constant 0.0883883461 : f32
      %mul3A_269 = vector.broadcast %mul3A_268 : f32 to vector<16xf32>
      %mul3A_270 = arith.mulf %broadcast_in_dim3A_267, %mul3A_269 : vector<16xf32>
      %add3A_271 = arith.addi %add3A_74, %add3A_223 : i32
      %broadcast_in_dim3A_272 = vector.broadcast %add3A_271 : i32 to vector<16xi32>
      %lt3A_273 = arith.cmpi slt, %broadcast_in_dim3A_272, %broadcast_in_dim3A : vector<16xi32>
      %jit3A_274 = arith.constant -1.000000e+30 : f32
      %broadcast_in_dim3A_275 = vector.broadcast %jit3A_274 : f32 to vector<16xf32>
      %select_n3A_276 = arith.select %lt3A_273, %mul3A_270, %broadcast_in_dim3A_275 : vector<16xi1>, vector<16xf32>
      %max3A_277 = arith.maximumf %select_n3A_219, %select_n3A_276 : vector<16xf32>
      %max3A_278 = arith.maximumf %scan3A_156, %max3A_277 : vector<16xf32>
      %sub3A_279 = arith.subf %scan3A_156, %max3A_278 : vector<16xf32>
      %exp3A_280 = math.exp %sub3A_279 : vector<16xf32>
      %sub3A_281 = arith.subf %select_n3A_219, %max3A_278 : vector<16xf32>
      %exp3A_282 = math.exp %sub3A_281 : vector<16xf32>
      %sub3A_283 = arith.subf %select_n3A_276, %max3A_278 : vector<16xf32>
      %exp3A_284 = math.exp %sub3A_283 : vector<16xf32>
      %add3A_285 = arith.addf %exp3A_282, %exp3A_284 : vector<16xf32>
      %mul3A_286 = arith.mulf %scan3A_157, %exp3A_280 : vector<16xf32>
      %add3A_287 = arith.addf %mul3A_286, %add3A_285 : vector<16xf32>
      %mul3A_288 = arith.mulf %scan3A_158, %exp3A_280 : vector<16xf32>
      %mul3A_289 = arith.mulf %exp3A_282, %get3A_172 : vector<16xf32>
      %add3A_290 = arith.addf %mul3A_288, %mul3A_289 : vector<16xf32>
      %mul3A_291 = arith.mulf %exp3A_284, %get3A_226 : vector<16xf32>
      %add3A_292 = arith.addf %add3A_290, %mul3A_291 : vector<16xf32>
      %mul3A_293 = arith.mulf %scan3A_159, %exp3A_280 : vector<16xf32>
      %mul3A_294 = arith.mulf %exp3A_282, %get3A_175 : vector<16xf32>
      %add3A_295 = arith.addf %mul3A_293, %mul3A_294 : vector<16xf32>
      %mul3A_296 = arith.mulf %exp3A_284, %get3A_229 : vector<16xf32>
      %add3A_297 = arith.addf %add3A_295, %mul3A_296 : vector<16xf32>
      %mul3A_298 = arith.mulf %scan3A_160, %exp3A_280 : vector<16xf32>
      %mul3A_299 = arith.mulf %exp3A_282, %get3A_178 : vector<16xf32>
      %add3A_300 = arith.addf %mul3A_298, %mul3A_299 : vector<16xf32>
      %mul3A_301 = arith.mulf %exp3A_284, %get3A_232 : vector<16xf32>
      %add3A_302 = arith.addf %add3A_300, %mul3A_301 : vector<16xf32>
      %mul3A_303 = arith.mulf %scan3A_161, %exp3A_280 : vector<16xf32>
      %mul3A_304 = arith.mulf %exp3A_282, %get3A_181 : vector<16xf32>
      %add3A_305 = arith.addf %mul3A_303, %mul3A_304 : vector<16xf32>
      %mul3A_306 = arith.mulf %exp3A_284, %get3A_235 : vector<16xf32>
      %add3A_307 = arith.addf %add3A_305, %mul3A_306 : vector<16xf32>
      %mul3A_308 = arith.mulf %scan3A_162, %exp3A_280 : vector<16xf32>
      %mul3A_309 = arith.mulf %exp3A_282, %get3A_184 : vector<16xf32>
      %add3A_310 = arith.addf %mul3A_308, %mul3A_309 : vector<16xf32>
      %mul3A_311 = arith.mulf %exp3A_284, %get3A_238 : vector<16xf32>
      %add3A_312 = arith.addf %add3A_310, %mul3A_311 : vector<16xf32>
      %mul3A_313 = arith.mulf %scan3A_163, %exp3A_280 : vector<16xf32>
      %mul3A_314 = arith.mulf %exp3A_282, %get3A_187 : vector<16xf32>
      %add3A_315 = arith.addf %mul3A_313, %mul3A_314 : vector<16xf32>
      %mul3A_316 = arith.mulf %exp3A_284, %get3A_241 : vector<16xf32>
      %add3A_317 = arith.addf %add3A_315, %mul3A_316 : vector<16xf32>
      %mul3A_318 = arith.mulf %scan3A_164, %exp3A_280 : vector<16xf32>
      %mul3A_319 = arith.mulf %exp3A_282, %get3A_190 : vector<16xf32>
      %add3A_320 = arith.addf %mul3A_318, %mul3A_319 : vector<16xf32>
      %mul3A_321 = arith.mulf %exp3A_284, %get3A_244 : vector<16xf32>
      %add3A_322 = arith.addf %add3A_320, %mul3A_321 : vector<16xf32>
      %mul3A_323 = arith.mulf %scan3A_165, %exp3A_280 : vector<16xf32>
      %mul3A_324 = arith.mulf %exp3A_282, %get3A_193 : vector<16xf32>
      %add3A_325 = arith.addf %mul3A_323, %mul3A_324 : vector<16xf32>
      %mul3A_326 = arith.mulf %exp3A_284, %get3A_247 : vector<16xf32>
      %add3A_327 = arith.addf %add3A_325, %mul3A_326 : vector<16xf32>
      scf.yield %max3A_278, %add3A_287, %add3A_292, %add3A_297, %add3A_302, %add3A_307, %add3A_312, %add3A_317, %add3A_322, %add3A_327 : vector<16xf32>, vector<16xf32>, vector<16xf32>, vector<16xf32>, vector<16xf32>, vector<16xf32>, vector<16xf32>, vector<16xf32>, vector<16xf32>, vector<16xf32>
    }
    %scan3A_79 = arith.constant 128 : i32
    %dma_wait3A_80 = arith.constant 0 : i32
    %dma_wait3A_81 = arith.constant 0 : i32
    %dma_wait3A_82 = arith.constant 0 : i32
    %dma_wait3A_83 = tpu.memref_slice %arg2[%dma_wait3A_80, %dma_wait3A_81, %dma_wait3A_82] : memref<256x1024x128xf32, #tpu.memory_space<hbm>> -> memref<1x256x128xf32, #tpu.memory_space<hbm>>
    %dma_wait3A_84 = tpu.memref_squeeze %dma_wait3A_83 : memref<1x256x128xf32, #tpu.memory_space<hbm>> -> memref<256x128xf32, #tpu.memory_space<hbm>>
    %dma_wait3A_85 = arith.constant 0 : i32
    %dma_wait3A_86 = arith.constant 0 : i32
    %dma_wait3A_87 = tpu.memref_slice %arg2[%dma_wait3A_80, %dma_wait3A_85, %dma_wait3A_86] : memref<256x1024x128xf32, #tpu.memory_space<hbm>> -> memref<1x256x128xf32, #tpu.memory_space<hbm>>
    %dma_wait3A_88 = tpu.memref_squeeze %dma_wait3A_87 : memref<1x256x128xf32, #tpu.memory_space<hbm>> -> memref<256x128xf32, #tpu.memory_space<hbm>>
    tpu.wait_dma2 semaphore(%arg12 : memref<!tpu.dma_semaphore, #tpu.memory_space<semaphore_mem>>) src(%dma_wait3A_88 : memref<256x128xf32, #tpu.memory_space<hbm>>) dst(%arg9 : memref<256x128xf32, #tpu.memory_space<vmem>>)
    %add3A_89 = arith.constant 256 : i32
    %add3A_90 = arith.addi %multiple_of3A, %add3A_89 : i32
    %scan3A_91 = arith.constant 0 : i32
    %scan3A_92 = arith.constant 128 : i32
    %scan3A_93 = arith.addi %scan3A_91, %scan3A_92 : i32
    %scan3A_94 = arith.constant 1 : i32
    %scan3A_95:10 = scf.for %scan3A_155 = %scan3A_91 to %scan3A_93 step %scan3A_94 iter_args(%scan3A_156 = %scan3A_78#0, %scan3A_157 = %scan3A_78#1, %scan3A_158 = %scan3A_78#2, %scan3A_159 = %scan3A_78#3, %scan3A_160 = %scan3A_78#4, %scan3A_161 = %scan3A_78#5, %scan3A_162 = %scan3A_78#6, %scan3A_163 = %scan3A_78#7, %scan3A_164 = %scan3A_78#8, %scan3A_165 = %scan3A_78#9) -> (vector<16xf32>, vector<16xf32>, vector<16xf32>, vector<16xf32>, vector<16xf32>, vector<16xf32>, vector<16xf32>, vector<16xf32>, vector<16xf32>, vector<16xf32>)  : i32 {
      %mul3A_166 = arith.constant 2 : i32
      %mul3A_167 = arith.muli %scan3A_155, %mul3A_166 : i32
      %add3A_168 = arith.constant 0 : i32
      %add3A_169 = arith.addi %mul3A_167, %add3A_168 : i32
      %get3A_170 = arith.index_cast %add3A_169 : i32 to index
      %get3A_171 = arith.constant 0 : index
      %get3A_172 = tpu.vector_load %arg9[%get3A_170, %get3A_171] {strides = array<i32>} : memref<256x128xf32, #tpu.memory_space<vmem>>, vector<16xf32>,
      %get3A_173 = arith.index_cast %add3A_169 : i32 to index
      %get3A_174 = arith.constant 16 : index
      %get3A_175 = tpu.vector_load %arg9[%get3A_173, %get3A_174] {strides = array<i32>} : memref<256x128xf32, #tpu.memory_space<vmem>>, vector<16xf32>,
      %get3A_176 = arith.index_cast %add3A_169 : i32 to index
      %get3A_177 = arith.constant 32 : index
      %get3A_178 = tpu.vector_load %arg9[%get3A_176, %get3A_177] {strides = array<i32>} : memref<256x128xf32, #tpu.memory_space<vmem>>, vector<16xf32>,
      %get3A_179 = arith.index_cast %add3A_169 : i32 to index
      %get3A_180 = arith.constant 48 : index
      %get3A_181 = tpu.vector_load %arg9[%get3A_179, %get3A_180] {strides = array<i32>} : memref<256x128xf32, #tpu.memory_space<vmem>>, vector<16xf32>,
      %get3A_182 = arith.index_cast %add3A_169 : i32 to index
      %get3A_183 = arith.constant 64 : index
      %get3A_184 = tpu.vector_load %arg9[%get3A_182, %get3A_183] {strides = array<i32>} : memref<256x128xf32, #tpu.memory_space<vmem>>, vector<16xf32>,
      %get3A_185 = arith.index_cast %add3A_169 : i32 to index
      %get3A_186 = arith.constant 80 : index
      %get3A_187 = tpu.vector_load %arg9[%get3A_185, %get3A_186] {strides = array<i32>} : memref<256x128xf32, #tpu.memory_space<vmem>>, vector<16xf32>,
      %get3A_188 = arith.index_cast %add3A_169 : i32 to index
      %get3A_189 = arith.constant 96 : index
      %get3A_190 = tpu.vector_load %arg9[%get3A_188, %get3A_189] {strides = array<i32>} : memref<256x128xf32, #tpu.memory_space<vmem>>, vector<16xf32>,
      %get3A_191 = arith.index_cast %add3A_169 : i32 to index
      %get3A_192 = arith.constant 112 : index
      %get3A_193 = tpu.vector_load %arg9[%get3A_191, %get3A_192] {strides = array<i32>} : memref<256x128xf32, #tpu.memory_space<vmem>>, vector<16xf32>,
      %mul3A_194 = arith.mulf %get3A_172, %get3A_24 : vector<16xf32>
      %mul3A_195 = arith.mulf %get3A_175, %get3A_28 : vector<16xf32>
      %add3A_196 = arith.addf %mul3A_194, %mul3A_195 : vector<16xf32>
      %mul3A_197 = arith.mulf %get3A_178, %get3A_32 : vector<16xf32>
      %add3A_198 = arith.addf %add3A_196, %mul3A_197 : vector<16xf32>
      %mul3A_199 = arith.mulf %get3A_181, %get3A_36 : vector<16xf32>
      %add3A_200 = arith.addf %add3A_198, %mul3A_199 : vector<16xf32>
      %mul3A_201 = arith.mulf %get3A_184, %get3A_40 : vector<16xf32>
      %add3A_202 = arith.addf %add3A_200, %mul3A_201 : vector<16xf32>
      %mul3A_203 = arith.mulf %get3A_187, %get3A_44 : vector<16xf32>
      %add3A_204 = arith.addf %add3A_202, %mul3A_203 : vector<16xf32>
      %mul3A_205 = arith.mulf %get3A_190, %get3A_48 : vector<16xf32>
      %add3A_206 = arith.addf %add3A_204, %mul3A_205 : vector<16xf32>
      %mul3A_207 = arith.mulf %get3A_193, %get3A_52 : vector<16xf32>
      %add3A_208 = arith.addf %add3A_206, %mul3A_207 : vector<16xf32>
      %reduce_sum3A = arith.constant true
      %reduce_sum3A_209 = vector.broadcast %reduce_sum3A : i1 to vector<16xi1>
      %reduce_sum3A_210 = tpu.scan <sum>, %add3A_208 masked %reduce_sum3A_209 : vector<16xf32>, vector<16xi1> -> vector<16xf32>
      %reduce_sum3A_211 = vector.extract %reduce_sum3A_210[15] : f32 from vector<16xf32>
      %broadcast_in_dim3A_212 = vector.broadcast %reduce_sum3A_211 : f32 to vector<16xf32>
      %mul3A_213 = arith.constant 0.0883883461 : f32
      %mul3A_214 = vector.broadcast %mul3A_213 : f32 to vector<16xf32>
      %mul3A_215 = arith.mulf %broadcast_in_dim3A_212, %mul3A_214 : vector<16xf32>
      %add3A_216 = arith.addi %add3A_90, %add3A_169 : i32
      %broadcast_in_dim3A_217 = vector.broadcast %add3A_216 : i32 to vector<16xi32>
      %lt3A = arith.cmpi slt, %broadcast_in_dim3A_217, %broadcast_in_dim3A : vector<16xi32>
      %jit3A = arith.constant -1.000000e+30 : f32
      %broadcast_in_dim3A_218 = vector.broadcast %jit3A : f32 to vector<16xf32>
      %select_n3A_219 = arith.select %lt3A, %mul3A_215, %broadcast_in_dim3A_218 : vector<16xi1>, vector<16xf32>
      %mul3A_220 = arith.constant 2 : i32
      %mul3A_221 = arith.muli %scan3A_155, %mul3A_220 : i32
      %add3A_222 = arith.constant 1 : i32
      %add3A_223 = arith.addi %mul3A_221, %add3A_222 : i32
      %get3A_224 = arith.index_cast %add3A_223 : i32 to index
      %get3A_225 = arith.constant 0 : index
      %get3A_226 = tpu.vector_load %arg9[%get3A_224, %get3A_225] {strides = array<i32>} : memref<256x128xf32, #tpu.memory_space<vmem>>, vector<16xf32>,
      %get3A_227 = arith.index_cast %add3A_223 : i32 to index
      %get3A_228 = arith.constant 16 : index
      %get3A_229 = tpu.vector_load %arg9[%get3A_227, %get3A_228] {strides = array<i32>} : memref<256x128xf32, #tpu.memory_space<vmem>>, vector<16xf32>,
      %get3A_230 = arith.index_cast %add3A_223 : i32 to index
      %get3A_231 = arith.constant 32 : index
      %get3A_232 = tpu.vector_load %arg9[%get3A_230, %get3A_231] {strides = array<i32>} : memref<256x128xf32, #tpu.memory_space<vmem>>, vector<16xf32>,
      %get3A_233 = arith.index_cast %add3A_223 : i32 to index
      %get3A_234 = arith.constant 48 : index
      %get3A_235 = tpu.vector_load %arg9[%get3A_233, %get3A_234] {strides = array<i32>} : memref<256x128xf32, #tpu.memory_space<vmem>>, vector<16xf32>,
      %get3A_236 = arith.index_cast %add3A_223 : i32 to index
      %get3A_237 = arith.constant 64 : index
      %get3A_238 = tpu.vector_load %arg9[%get3A_236, %get3A_237] {strides = array<i32>} : memref<256x128xf32, #tpu.memory_space<vmem>>, vector<16xf32>,
      %get3A_239 = arith.index_cast %add3A_223 : i32 to index
      %get3A_240 = arith.constant 80 : index
      %get3A_241 = tpu.vector_load %arg9[%get3A_239, %get3A_240] {strides = array<i32>} : memref<256x128xf32, #tpu.memory_space<vmem>>, vector<16xf32>,
      %get3A_242 = arith.index_cast %add3A_223 : i32 to index
      %get3A_243 = arith.constant 96 : index
      %get3A_244 = tpu.vector_load %arg9[%get3A_242, %get3A_243] {strides = array<i32>} : memref<256x128xf32, #tpu.memory_space<vmem>>, vector<16xf32>,
      %get3A_245 = arith.index_cast %add3A_223 : i32 to index
      %get3A_246 = arith.constant 112 : index
      %get3A_247 = tpu.vector_load %arg9[%get3A_245, %get3A_246] {strides = array<i32>} : memref<256x128xf32, #tpu.memory_space<vmem>>, vector<16xf32>,
      %mul3A_248 = arith.mulf %get3A_226, %get3A_24 : vector<16xf32>
      %mul3A_249 = arith.mulf %get3A_229, %get3A_28 : vector<16xf32>
      %add3A_250 = arith.addf %mul3A_248, %mul3A_249 : vector<16xf32>
      %mul3A_251 = arith.mulf %get3A_232, %get3A_32 : vector<16xf32>
      %add3A_252 = arith.addf %add3A_250, %mul3A_251 : vector<16xf32>
      %mul3A_253 = arith.mulf %get3A_235, %get3A_36 : vector<16xf32>
      %add3A_254 = arith.addf %add3A_252, %mul3A_253 : vector<16xf32>
      %mul3A_255 = arith.mulf %get3A_238, %get3A_40 : vector<16xf32>
      %add3A_256 = arith.addf %add3A_254, %mul3A_255 : vector<16xf32>
      %mul3A_257 = arith.mulf %get3A_241, %get3A_44 : vector<16xf32>
      %add3A_258 = arith.addf %add3A_256, %mul3A_257 : vector<16xf32>
      %mul3A_259 = arith.mulf %get3A_244, %get3A_48 : vector<16xf32>
      %add3A_260 = arith.addf %add3A_258, %mul3A_259 : vector<16xf32>
      %mul3A_261 = arith.mulf %get3A_247, %get3A_52 : vector<16xf32>
      %add3A_262 = arith.addf %add3A_260, %mul3A_261 : vector<16xf32>
      %reduce_sum3A_263 = arith.constant true
      %reduce_sum3A_264 = vector.broadcast %reduce_sum3A_263 : i1 to vector<16xi1>
      %reduce_sum3A_265 = tpu.scan <sum>, %add3A_262 masked %reduce_sum3A_264 : vector<16xf32>, vector<16xi1> -> vector<16xf32>
      %reduce_sum3A_266 = vector.extract %reduce_sum3A_265[15] : f32 from vector<16xf32>
      %broadcast_in_dim3A_267 = vector.broadcast %reduce_sum3A_266 : f32 to vector<16xf32>
      %mul3A_268 = arith.constant 0.0883883461 : f32
      %mul3A_269 = vector.broadcast %mul3A_268 : f32 to vector<16xf32>
      %mul3A_270 = arith.mulf %broadcast_in_dim3A_267, %mul3A_269 : vector<16xf32>
      %add3A_271 = arith.addi %add3A_90, %add3A_223 : i32
      %broadcast_in_dim3A_272 = vector.broadcast %add3A_271 : i32 to vector<16xi32>
      %lt3A_273 = arith.cmpi slt, %broadcast_in_dim3A_272, %broadcast_in_dim3A : vector<16xi32>
      %jit3A_274 = arith.constant -1.000000e+30 : f32
      %broadcast_in_dim3A_275 = vector.broadcast %jit3A_274 : f32 to vector<16xf32>
      %select_n3A_276 = arith.select %lt3A_273, %mul3A_270, %broadcast_in_dim3A_275 : vector<16xi1>, vector<16xf32>
      %max3A_277 = arith.maximumf %select_n3A_219, %select_n3A_276 : vector<16xf32>
      %max3A_278 = arith.maximumf %scan3A_156, %max3A_277 : vector<16xf32>
      %sub3A_279 = arith.subf %scan3A_156, %max3A_278 : vector<16xf32>
      %exp3A_280 = math.exp %sub3A_279 : vector<16xf32>
      %sub3A_281 = arith.subf %select_n3A_219, %max3A_278 : vector<16xf32>
      %exp3A_282 = math.exp %sub3A_281 : vector<16xf32>
      %sub3A_283 = arith.subf %select_n3A_276, %max3A_278 : vector<16xf32>
      %exp3A_284 = math.exp %sub3A_283 : vector<16xf32>
      %add3A_285 = arith.addf %exp3A_282, %exp3A_284 : vector<16xf32>
      %mul3A_286 = arith.mulf %scan3A_157, %exp3A_280 : vector<16xf32>
      %add3A_287 = arith.addf %mul3A_286, %add3A_285 : vector<16xf32>
      %mul3A_288 = arith.mulf %scan3A_158, %exp3A_280 : vector<16xf32>
      %mul3A_289 = arith.mulf %exp3A_282, %get3A_172 : vector<16xf32>
      %add3A_290 = arith.addf %mul3A_288, %mul3A_289 : vector<16xf32>
      %mul3A_291 = arith.mulf %exp3A_284, %get3A_226 : vector<16xf32>
      %add3A_292 = arith.addf %add3A_290, %mul3A_291 : vector<16xf32>
      %mul3A_293 = arith.mulf %scan3A_159, %exp3A_280 : vector<16xf32>
      %mul3A_294 = arith.mulf %exp3A_282, %get3A_175 : vector<16xf32>
      %add3A_295 = arith.addf %mul3A_293, %mul3A_294 : vector<16xf32>
      %mul3A_296 = arith.mulf %exp3A_284, %get3A_229 : vector<16xf32>
      %add3A_297 = arith.addf %add3A_295, %mul3A_296 : vector<16xf32>
      %mul3A_298 = arith.mulf %scan3A_160, %exp3A_280 : vector<16xf32>
      %mul3A_299 = arith.mulf %exp3A_282, %get3A_178 : vector<16xf32>
      %add3A_300 = arith.addf %mul3A_298, %mul3A_299 : vector<16xf32>
      %mul3A_301 = arith.mulf %exp3A_284, %get3A_232 : vector<16xf32>
      %add3A_302 = arith.addf %add3A_300, %mul3A_301 : vector<16xf32>
      %mul3A_303 = arith.mulf %scan3A_161, %exp3A_280 : vector<16xf32>
      %mul3A_304 = arith.mulf %exp3A_282, %get3A_181 : vector<16xf32>
      %add3A_305 = arith.addf %mul3A_303, %mul3A_304 : vector<16xf32>
      %mul3A_306 = arith.mulf %exp3A_284, %get3A_235 : vector<16xf32>
      %add3A_307 = arith.addf %add3A_305, %mul3A_306 : vector<16xf32>
      %mul3A_308 = arith.mulf %scan3A_162, %exp3A_280 : vector<16xf32>
      %mul3A_309 = arith.mulf %exp3A_282, %get3A_184 : vector<16xf32>
      %add3A_310 = arith.addf %mul3A_308, %mul3A_309 : vector<16xf32>
      %mul3A_311 = arith.mulf %exp3A_284, %get3A_238 : vector<16xf32>
      %add3A_312 = arith.addf %add3A_310, %mul3A_311 : vector<16xf32>
      %mul3A_313 = arith.mulf %scan3A_163, %exp3A_280 : vector<16xf32>
      %mul3A_314 = arith.mulf %exp3A_282, %get3A_187 : vector<16xf32>
      %add3A_315 = arith.addf %mul3A_313, %mul3A_314 : vector<16xf32>
      %mul3A_316 = arith.mulf %exp3A_284, %get3A_241 : vector<16xf32>
      %add3A_317 = arith.addf %add3A_315, %mul3A_316 : vector<16xf32>
      %mul3A_318 = arith.mulf %scan3A_164, %exp3A_280 : vector<16xf32>
      %mul3A_319 = arith.mulf %exp3A_282, %get3A_190 : vector<16xf32>
      %add3A_320 = arith.addf %mul3A_318, %mul3A_319 : vector<16xf32>
      %mul3A_321 = arith.mulf %exp3A_284, %get3A_244 : vector<16xf32>
      %add3A_322 = arith.addf %add3A_320, %mul3A_321 : vector<16xf32>
      %mul3A_323 = arith.mulf %scan3A_165, %exp3A_280 : vector<16xf32>
      %mul3A_324 = arith.mulf %exp3A_282, %get3A_193 : vector<16xf32>
      %add3A_325 = arith.addf %mul3A_323, %mul3A_324 : vector<16xf32>
      %mul3A_326 = arith.mulf %exp3A_284, %get3A_247 : vector<16xf32>
      %add3A_327 = arith.addf %add3A_325, %mul3A_326 : vector<16xf32>
      scf.yield %max3A_278, %add3A_287, %add3A_292, %add3A_297, %add3A_302, %add3A_307, %add3A_312, %add3A_317, %add3A_322, %add3A_327 : vector<16xf32>, vector<16xf32>, vector<16xf32>, vector<16xf32>, vector<16xf32>, vector<16xf32>, vector<16xf32>, vector<16xf32>, vector<16xf32>, vector<16xf32>
    }
    %scan3A_96 = arith.constant 128 : i32
    %gt3A = arith.constant 0.000000e+00 : f32
    %gt3A_97 = vector.broadcast %gt3A : f32 to vector<16xf32>
    %gt3A_98 = arith.cmpf ogt, %broadcast_in_dim3A_9, %gt3A_97 : vector<16xf32>
    %max3A_99 = arith.maximumf %scan3A_95#0, %broadcast_in_dim3A_20 : vector<16xf32>
    %select_n3A = arith.select %gt3A_98, %max3A_99, %scan3A_95#0 : vector<16xi1>, vector<16xf32>
    %sub3A_100 = arith.subf %scan3A_95#0, %select_n3A : vector<16xf32>
    %exp3A = math.exp %sub3A_100 : vector<16xf32>
    %mul3A_101 = arith.mulf %scan3A_95#1, %exp3A : vector<16xf32>
    %sub3A_102 = arith.subf %broadcast_in_dim3A_20, %select_n3A : vector<16xf32>
    %exp3A_103 = math.exp %sub3A_102 : vector<16xf32>
    %mul3A_104 = arith.mulf %broadcast_in_dim3A_9, %exp3A_103 : vector<16xf32>
    %add3A_105 = arith.addf %mul3A_101, %mul3A_104 : vector<16xf32>
    %div3A = arith.constant 1.000000e+00 : f32
    %div3A_106 = vector.broadcast %div3A : f32 to vector<16xf32>
    %div3A_107 = arith.divf %div3A_106, %add3A_105 : vector<16xf32>
    %mul3A_108 = arith.mulf %scan3A_95#2, %exp3A : vector<16xf32>
    %mul3A_109 = arith.mulf %mul3A_108, %div3A_107 : vector<16xf32>
    %swap3A = arith.constant 0 : i32
    %swap3A_110 = arith.index_cast %swap3A : i32 to index
    %swap3A_111 = arith.constant 0 : index
    %swap3A_112 = tpu.vector_load %arg10[%swap3A_110, %swap3A_111] {strides = array<i32>} : memref<1x128xf32, #tpu.memory_space<vmem>>, vector<16xf32>,
    tpu.vector_store %arg10[%swap3A_110, %swap3A_111], %mul3A_109 {strides = array<i32>} : memref<1x128xf32, #tpu.memory_space<vmem>>, vector<16xf32>,
    %mul3A_113 = arith.mulf %scan3A_95#3, %exp3A : vector<16xf32>
    %mul3A_114 = arith.mulf %mul3A_113, %div3A_107 : vector<16xf32>
    %swap3A_115 = arith.constant 0 : i32
    %swap3A_116 = arith.index_cast %swap3A_115 : i32 to index
    %swap3A_117 = arith.constant 16 : index
    %swap3A_118 = tpu.vector_load %arg10[%swap3A_116, %swap3A_117] {strides = array<i32>} : memref<1x128xf32, #tpu.memory_space<vmem>>, vector<16xf32>,
    tpu.vector_store %arg10[%swap3A_116, %swap3A_117], %mul3A_114 {strides = array<i32>} : memref<1x128xf32, #tpu.memory_space<vmem>>, vector<16xf32>,
    %mul3A_119 = arith.mulf %scan3A_95#4, %exp3A : vector<16xf32>
    %mul3A_120 = arith.mulf %mul3A_119, %div3A_107 : vector<16xf32>
    %swap3A_121 = arith.constant 0 : i32
    %swap3A_122 = arith.index_cast %swap3A_121 : i32 to index
    %swap3A_123 = arith.constant 32 : index
    %swap3A_124 = tpu.vector_load %arg10[%swap3A_122, %swap3A_123] {strides = array<i32>} : memref<1x128xf32, #tpu.memory_space<vmem>>, vector<16xf32>,
    tpu.vector_store %arg10[%swap3A_122, %swap3A_123], %mul3A_120 {strides = array<i32>} : memref<1x128xf32, #tpu.memory_space<vmem>>, vector<16xf32>,
    %mul3A_125 = arith.mulf %scan3A_95#5, %exp3A : vector<16xf32>
    %mul3A_126 = arith.mulf %mul3A_125, %div3A_107 : vector<16xf32>
    %swap3A_127 = arith.constant 0 : i32
    %swap3A_128 = arith.index_cast %swap3A_127 : i32 to index
    %swap3A_129 = arith.constant 48 : index
    %swap3A_130 = tpu.vector_load %arg10[%swap3A_128, %swap3A_129] {strides = array<i32>} : memref<1x128xf32, #tpu.memory_space<vmem>>, vector<16xf32>,
    tpu.vector_store %arg10[%swap3A_128, %swap3A_129], %mul3A_126 {strides = array<i32>} : memref<1x128xf32, #tpu.memory_space<vmem>>, vector<16xf32>,
    %mul3A_131 = arith.mulf %scan3A_95#6, %exp3A : vector<16xf32>
    %mul3A_132 = arith.mulf %mul3A_131, %div3A_107 : vector<16xf32>
    %swap3A_133 = arith.constant 0 : i32
    %swap3A_134 = arith.index_cast %swap3A_133 : i32 to index
    %swap3A_135 = arith.constant 64 : index
    %swap3A_136 = tpu.vector_load %arg10[%swap3A_134, %swap3A_135] {strides = array<i32>} : memref<1x128xf32, #tpu.memory_space<vmem>>, vector<16xf32>,
    tpu.vector_store %arg10[%swap3A_134, %swap3A_135], %mul3A_132 {strides = array<i32>} : memref<1x128xf32, #tpu.memory_space<vmem>>, vector<16xf32>,
    %mul3A_137 = arith.mulf %scan3A_95#7, %exp3A : vector<16xf32>
    %mul3A_138 = arith.mulf %mul3A_137, %div3A_107 : vector<16xf32>
    %swap3A_139 = arith.constant 0 : i32
    %swap3A_140 = arith.index_cast %swap3A_139 : i32 to index
    %swap3A_141 = arith.constant 80 : index
    %swap3A_142 = tpu.vector_load %arg10[%swap3A_140, %swap3A_141] {strides = array<i32>} : memref<1x128xf32, #tpu.memory_space<vmem>>, vector<16xf32>,
    tpu.vector_store %arg10[%swap3A_140, %swap3A_141], %mul3A_138 {strides = array<i32>} : memref<1x128xf32, #tpu.memory_space<vmem>>, vector<16xf32>,
    %mul3A_143 = arith.mulf %scan3A_95#8, %exp3A : vector<16xf32>
    %mul3A_144 = arith.mulf %mul3A_143, %div3A_107 : vector<16xf32>
    %swap3A_145 = arith.constant 0 : i32
    %swap3A_146 = arith.index_cast %swap3A_145 : i32 to index
    %swap3A_147 = arith.constant 96 : index
    %swap3A_148 = tpu.vector_load %arg10[%swap3A_146, %swap3A_147] {strides = array<i32>} : memref<1x128xf32, #tpu.memory_space<vmem>>, vector<16xf32>,
    tpu.vector_store %arg10[%swap3A_146, %swap3A_147], %mul3A_144 {strides = array<i32>} : memref<1x128xf32, #tpu.memory_space<vmem>>, vector<16xf32>,
    %mul3A_149 = arith.mulf %scan3A_95#9, %exp3A : vector<16xf32>
    %mul3A_150 = arith.mulf %mul3A_149, %div3A_107 : vector<16xf32>
    %swap3A_151 = arith.constant 0 : i32
    %swap3A_152 = arith.index_cast %swap3A_151 : i32 to index
    %swap3A_153 = arith.constant 112 : index
    %swap3A_154 = tpu.vector_load %arg10[%swap3A_152, %swap3A_153] {strides = array<i32>} : memref<1x128xf32, #tpu.memory_space<vmem>>, vector<16xf32>,
    tpu.vector_store %arg10[%swap3A_152, %swap3A_153], %mul3A_150 {strides = array<i32>} : memref<1x128xf32, #tpu.memory_space<vmem>>, vector<16xf32>,
    "tpu.region"() ({
      %run_scoped3A = tpu.sem_alloc : memref<!tpu.dma_semaphore, #tpu.memory_space<semaphore_mem>>
      %dma_start3A_155 = arith.constant 0 : i32
      %dma_start3A_156 = tpu.memref_slice %arg5[%mul3A_2, %dma_start3A_155] : memref<32x128xf32, #tpu.memory_space<hbm>> -> memref<1x128xf32, #tpu.memory_space<hbm>>
      %dma_start3A_157 = arith.constant 0 : i32
      %dma_start3A_158 = tpu.memref_slice %arg5[%mul3A_2, %dma_start3A_157] : memref<32x128xf32, #tpu.memory_space<hbm>> -> memref<1x128xf32, #tpu.memory_space<hbm>>
      tpu.enqueue_dma source(%arg10 : memref<1x128xf32, #tpu.memory_space<vmem>>) target(%dma_start3A_158 : memref<1x128xf32, #tpu.memory_space<hbm>>) target_semaphore(%run_scoped3A : memref<!tpu.dma_semaphore, #tpu.memory_space<semaphore_mem>>)
      %dma_wait3A_159 = arith.constant 0 : i32
      %dma_wait3A_160 = tpu.memref_slice %arg5[%mul3A_2, %dma_wait3A_159] : memref<32x128xf32, #tpu.memory_space<hbm>> -> memref<1x128xf32, #tpu.memory_space<hbm>>
      %dma_wait3A_161 = arith.constant 0 : i32
      %dma_wait3A_162 = tpu.memref_slice %arg5[%mul3A_2, %dma_wait3A_161] : memref<32x128xf32, #tpu.memory_space<hbm>> -> memref<1x128xf32, #tpu.memory_space<hbm>>
      tpu.wait_dma2 semaphore(%run_scoped3A : memref<!tpu.dma_semaphore, #tpu.memory_space<semaphore_mem>>) src(%arg10 : memref<1x128xf32, #tpu.memory_space<vmem>>) dst(%dma_wait3A_162 : memref<1x128xf32, #tpu.memory_space<hbm>>)
      tpu.yield
    }) : () -> ()
    return
  }
}

module attributes {stable_mosaic.version = 14 : i64} {
  func.func @_qk_body(%arg0: i32, %arg1: memref<32x128xf32, #tpu.memory_space<vmem>>, %arg2: memref<128x128xf32, #tpu.memory_space<vmem>>, %arg3: memref<1x128xf32, #tpu.memory_space<vmem>>, %arg4: memref<128x128xf32, #tpu.memory_space<vmem>>, %arg5: memref<32x128xf32, #tpu.memory_space<vmem>>) attributes {dimension_semantics = [#tpu.dimension_semantics<arbitrary>], iteration_bounds = array<i64: 1>, scalar_prefetch = 0 : i64, scratch_operands = 0 : i64, tpu.core_type = #tpu.core_type<tc>, window_params = [{transform_indices = @transform_0, window_bounds = array<i64: 32, 128>}, {pipeline_mode = #tpu.pipeline_mode<synchronous>, transform_indices = @transform_1, window_bounds = array<i64: 128, 128>}, {pipeline_mode = #tpu.pipeline_mode<synchronous>, transform_indices = @transform_2, window_bounds = array<i64: 1, 128>}, {pipeline_mode = #tpu.pipeline_mode<synchronous>, transform_indices = @transform_3, window_bounds = array<i64: 128, 128>}, {pipeline_mode = #tpu.pipeline_mode<synchronous>, transform_indices = @transform_4, window_bounds = array<i64: 32, 128>}]} {
    %get3A = arith.constant 0 : index
    %get3A_0 = arith.constant 0 : index
    %get3A_1 = vector.load %arg1[%get3A, %get3A_0] : memref<32x128xf32, #tpu.memory_space<vmem>>, vector<32x128xf32>
    %get3A_2 = arith.constant 0 : index
    %get3A_3 = arith.constant 0 : index
    %get3A_4 = vector.load %arg2[%get3A_2, %get3A_3] : memref<128x128xf32, #tpu.memory_space<vmem>>, vector<128x128xf32>
    %dot_general3A = arith.constant dense<0.000000e+00> : vector<32x128xf32>
    %dot_general3A_5 = tpu.matmul %get3A_1, %get3A_4, %dot_general3A {dimension_numbers = #tpu.dot_dimension_numbers<[1], [1], [0], [0], [0, 0, 1, 0], [], []>, transpose_lhs_hint = false} : vector<32x128xf32>, vector<128x128xf32>, vector<32x128xf32> -> vector<32x128xf32>
    %get3A_6 = arith.constant 0 : index
    %get3A_7 = arith.constant 0 : index
    %get3A_8 = vector.load %arg3[%get3A_6, %get3A_7] : memref<1x128xf32, #tpu.memory_space<vmem>>, vector<1x128xf32>
    %add3A = vector.broadcast %get3A_8 : vector<1x128xf32> to vector<32x128xf32>
    %add3A_9 = arith.addf %dot_general3A_5, %add3A : vector<32x128xf32>
    %get3A_10 = arith.constant 0 : index
    %get3A_11 = arith.constant 0 : index
    %get3A_12 = vector.load %arg4[%get3A_10, %get3A_11] : memref<128x128xf32, #tpu.memory_space<vmem>>, vector<128x128xf32>
    %dot_general3A_13 = arith.constant dense<0.000000e+00> : vector<32x128xf32>
    %dot_general3A_14 = tpu.matmul %add3A_9, %get3A_12, %dot_general3A_13 {dimension_numbers = #tpu.dot_dimension_numbers<[1], [0], [0], [1], [0, 0, 1, 1], [], []>, transpose_lhs_hint = false} : vector<32x128xf32>, vector<128x128xf32>, vector<32x128xf32> -> vector<32x128xf32>
    %swap3A = arith.constant 0 : index
    %swap3A_15 = arith.constant 0 : index
    %swap3A_16 = vector.load %arg5[%swap3A, %swap3A_15] : memref<32x128xf32, #tpu.memory_space<vmem>>, vector<32x128xf32>
    tpu.vector_store %arg5[%swap3A, %swap3A_15], %dot_general3A_14 {strides = array<i32>} : memref<32x128xf32, #tpu.memory_space<vmem>>, vector<32x128xf32>,
    return
  }
  func.func @transform_0(%arg0: i32) -> (i32, i32) {
    %c0_i32 = arith.constant 0 : i32
    %c0_i32_0 = arith.constant 0 : i32
    %c0_i32_1 = arith.constant 0 : i32
    return %c0_i32, %c0_i32_0 : i32, i32
  }
  func.func @transform_1(%arg0: i32) -> (i32, i32) {
    %c0_i32 = arith.constant 0 : i32
    %c0_i32_0 = arith.constant 0 : i32
    %c0_i32_1 = arith.constant 0 : i32
    return %c0_i32, %c0_i32_0 : i32, i32
  }
  func.func @transform_2(%arg0: i32) -> (i32, i32) {
    %c0_i32 = arith.constant 0 : i32
    %c0_i32_0 = arith.constant 0 : i32
    %c0_i32_1 = arith.constant 0 : i32
    return %c0_i32, %c0_i32_0 : i32, i32
  }
  func.func @transform_3(%arg0: i32) -> (i32, i32) {
    %c0_i32 = arith.constant 0 : i32
    %c0_i32_0 = arith.constant 0 : i32
    %c0_i32_1 = arith.constant 0 : i32
    return %c0_i32, %c0_i32_0 : i32, i32
  }
  func.func @transform_4(%arg0: i32) -> (i32, i32) {
    %c0_i32 = arith.constant 0 : i32
    %c0_i32_0 = arith.constant 0 : i32
    %c0_i32_1 = arith.constant 0 : i32
    return %c0_i32, %c0_i32_0 : i32, i32
  }
}

module attributes {stable_mosaic.version = 14 : i64} {
  func.func @_tc_attn_body(%arg0: i32, %arg1: memref<2xi32, #tpu.memory_space<smem>>, %arg2: memref<256x1024x128xf32, #tpu.memory_space<any>>, %arg3: memref<16x128xf32, #tpu.memory_space<vmem>>, %arg4: memref<128x128xf32, #tpu.memory_space<vmem>>, %arg5: memref<1x128xf32, #tpu.memory_space<vmem>>, %arg6: memref<128x128xf32, #tpu.memory_space<vmem>>, %arg7: memref<1x128xf32, #tpu.memory_space<vmem>>, %arg8: memref<128x128xf32, #tpu.memory_space<vmem>>, %arg9: memref<1x128xf32, #tpu.memory_space<vmem>>, %arg10: memref<16x128xf32, #tpu.memory_space<vmem>>, %arg11: memref<3x16x512x128xf32, #tpu.memory_space<vmem>>, %arg12: memref<3x4x!tpu.dma_semaphore, #tpu.memory_space<semaphore_mem>>) attributes {dimension_semantics = [#tpu.dimension_semantics<arbitrary>], iteration_bounds = array<i64: 14>, scalar_prefetch = 0 : i64, scratch_operands = 2 : i64, tpu.core_type = #tpu.core_type<tc>, window_params = [{transform_indices = @transform_0, window_bounds = array<i64: 2>}, {}, {transform_indices = @transform_2, window_bounds = array<i64: 16, 128>}, {pipeline_mode = #tpu.pipeline_mode<synchronous>, transform_indices = @transform_3, window_bounds = array<i64: 128, 128>}, {pipeline_mode = #tpu.pipeline_mode<synchronous>, transform_indices = @transform_4, window_bounds = array<i64: 1, 128>}, {pipeline_mode = #tpu.pipeline_mode<synchronous>, transform_indices = @transform_5, window_bounds = array<i64: 128, 128>}, {pipeline_mode = #tpu.pipeline_mode<synchronous>, transform_indices = @transform_6, window_bounds = array<i64: 1, 128>}, {pipeline_mode = #tpu.pipeline_mode<synchronous>, transform_indices = @transform_7, window_bounds = array<i64: 128, 128>}, {pipeline_mode = #tpu.pipeline_mode<synchronous>, transform_indices = @transform_8, window_bounds = array<i64: 1, 128>}, {transform_indices = @transform_9, window_bounds = array<i64: 16, 128>}]} {
    %get3A = arith.constant 0 : index
    %get3A_0 = memref.load %arg1[%get3A] : memref<2xi32, #tpu.memory_space<smem>>
    %get3A_1 = arith.constant 1 : index
    %get3A_2 = memref.load %arg1[%get3A_1] : memref<2xi32, #tpu.memory_space<smem>>
    %eq3A = arith.constant 0 : i32
    %eq3A_3 = arith.cmpi eq, %arg0, %eq3A : i32
    %convert_element_type3A = arith.extui %eq3A_3 : i1 to i32
    %cond3A = arith.constant 0 : i32
    %cond3A_4 = arith.cmpi ne, %convert_element_type3A, %cond3A : i32
    scf.if %cond3A_4 {
      %dma_start3A = arith.constant 0 : i32
      %dma_start3A_326 = arith.constant 0 : i32
      %dma_start3A_327 = arith.constant 0 : i32
      %dma_start3A_328 = tpu.memref_slice %arg12[%dma_start3A_326, %dma_start3A_327] : memref<3x4x!tpu.dma_semaphore, #tpu.memory_space<semaphore_mem>> -> memref<1x1x!tpu.dma_semaphore, #tpu.memory_space<semaphore_mem>>
      %dma_start3A_329 = tpu.memref_squeeze %dma_start3A_328 : memref<1x1x!tpu.dma_semaphore, #tpu.memory_space<semaphore_mem>> -> memref<!tpu.dma_semaphore, #tpu.memory_space<semaphore_mem>>
      %dma_start3A_330 = arith.constant 0 : i32
      %dma_start3A_331 = arith.constant 0 : i32
      %dma_start3A_332 = arith.constant 0 : i32
      %dma_start3A_333 = tpu.memref_slice %arg11[%dma_start3A, %dma_start3A_330, %dma_start3A_331, %dma_start3A_332] : memref<3x16x512x128xf32, #tpu.memory_space<vmem>> -> memref<1x4x512x128xf32, #tpu.memory_space<vmem>>
      %dma_start3A_334 = tpu.memref_squeeze %dma_start3A_333 : memref<1x4x512x128xf32, #tpu.memory_space<vmem>> -> memref<4x512x128xf32, #tpu.memory_space<vmem>>
      %dma_start3A_335 = arith.constant 32 : i32
      %dma_start3A_336 = arith.constant 0 : i32
      %dma_start3A_337 = tpu.memref_slice %arg2[%dma_start3A_335, %get3A_2, %dma_start3A_336] : memref<256x1024x128xf32, #tpu.memory_space<any>> -> memref<4x512x128xf32, #tpu.memory_space<any>>
      tpu.enqueue_dma source(%dma_start3A_337 : memref<4x512x128xf32, #tpu.memory_space<any>>) target(%dma_start3A_334 : memref<4x512x128xf32, #tpu.memory_space<vmem>>) target_semaphore(%dma_start3A_329 : memref<!tpu.dma_semaphore, #tpu.memory_space<semaphore_mem>>)
      %dma_start3A_338 = arith.constant 0 : i32
      %dma_start3A_339 = arith.constant 0 : i32
      %dma_start3A_340 = arith.constant 1 : i32
      %dma_start3A_341 = tpu.memref_slice %arg12[%dma_start3A_339, %dma_start3A_340] : memref<3x4x!tpu.dma_semaphore, #tpu.memory_space<semaphore_mem>> -> memref<1x1x!tpu.dma_semaphore, #tpu.memory_space<semaphore_mem>>
      %dma_start3A_342 = tpu.memref_squeeze %dma_start3A_341 : memref<1x1x!tpu.dma_semaphore, #tpu.memory_space<semaphore_mem>> -> memref<!tpu.dma_semaphore, #tpu.memory_space<semaphore_mem>>
      %dma_start3A_343 = arith.constant 4 : i32
      %dma_start3A_344 = arith.constant 0 : i32
      %dma_start3A_345 = arith.constant 0 : i32
      %dma_start3A_346 = tpu.memref_slice %arg11[%dma_start3A_338, %dma_start3A_343, %dma_start3A_344, %dma_start3A_345] : memref<3x16x512x128xf32, #tpu.memory_space<vmem>> -> memref<1x4x512x128xf32, #tpu.memory_space<vmem>>
      %dma_start3A_347 = tpu.memref_squeeze %dma_start3A_346 : memref<1x4x512x128xf32, #tpu.memory_space<vmem>> -> memref<4x512x128xf32, #tpu.memory_space<vmem>>
      %dma_start3A_348 = arith.constant 36 : i32
      %dma_start3A_349 = arith.constant 0 : i32
      %dma_start3A_350 = tpu.memref_slice %arg2[%dma_start3A_348, %get3A_2, %dma_start3A_349] : memref<256x1024x128xf32, #tpu.memory_space<any>> -> memref<4x512x128xf32, #tpu.memory_space<any>>
      tpu.enqueue_dma source(%dma_start3A_350 : memref<4x512x128xf32, #tpu.memory_space<any>>) target(%dma_start3A_347 : memref<4x512x128xf32, #tpu.memory_space<vmem>>) target_semaphore(%dma_start3A_342 : memref<!tpu.dma_semaphore, #tpu.memory_space<semaphore_mem>>)
      %dma_start3A_351 = arith.constant 0 : i32
      %dma_start3A_352 = arith.constant 0 : i32
      %dma_start3A_353 = arith.constant 2 : i32
      %dma_start3A_354 = tpu.memref_slice %arg12[%dma_start3A_352, %dma_start3A_353] : memref<3x4x!tpu.dma_semaphore, #tpu.memory_space<semaphore_mem>> -> memref<1x1x!tpu.dma_semaphore, #tpu.memory_space<semaphore_mem>>
      %dma_start3A_355 = tpu.memref_squeeze %dma_start3A_354 : memref<1x1x!tpu.dma_semaphore, #tpu.memory_space<semaphore_mem>> -> memref<!tpu.dma_semaphore, #tpu.memory_space<semaphore_mem>>
      %dma_start3A_356 = arith.constant 8 : i32
      %dma_start3A_357 = arith.constant 0 : i32
      %dma_start3A_358 = arith.constant 0 : i32
      %dma_start3A_359 = tpu.memref_slice %arg11[%dma_start3A_351, %dma_start3A_356, %dma_start3A_357, %dma_start3A_358] : memref<3x16x512x128xf32, #tpu.memory_space<vmem>> -> memref<1x4x512x128xf32, #tpu.memory_space<vmem>>
      %dma_start3A_360 = tpu.memref_squeeze %dma_start3A_359 : memref<1x4x512x128xf32, #tpu.memory_space<vmem>> -> memref<4x512x128xf32, #tpu.memory_space<vmem>>
      %dma_start3A_361 = arith.constant 40 : i32
      %dma_start3A_362 = arith.constant 0 : i32
      %dma_start3A_363 = tpu.memref_slice %arg2[%dma_start3A_361, %get3A_2, %dma_start3A_362] : memref<256x1024x128xf32, #tpu.memory_space<any>> -> memref<4x512x128xf32, #tpu.memory_space<any>>
      tpu.enqueue_dma source(%dma_start3A_363 : memref<4x512x128xf32, #tpu.memory_space<any>>) target(%dma_start3A_360 : memref<4x512x128xf32, #tpu.memory_space<vmem>>) target_semaphore(%dma_start3A_355 : memref<!tpu.dma_semaphore, #tpu.memory_space<semaphore_mem>>)
      %dma_start3A_364 = arith.constant 0 : i32
      %dma_start3A_365 = arith.constant 0 : i32
      %dma_start3A_366 = arith.constant 3 : i32
      %dma_start3A_367 = tpu.memref_slice %arg12[%dma_start3A_365, %dma_start3A_366] : memref<3x4x!tpu.dma_semaphore, #tpu.memory_space<semaphore_mem>> -> memref<1x1x!tpu.dma_semaphore, #tpu.memory_space<semaphore_mem>>
      %dma_start3A_368 = tpu.memref_squeeze %dma_start3A_367 : memref<1x1x!tpu.dma_semaphore, #tpu.memory_space<semaphore_mem>> -> memref<!tpu.dma_semaphore, #tpu.memory_space<semaphore_mem>>
      %dma_start3A_369 = arith.constant 12 : i32
      %dma_start3A_370 = arith.constant 0 : i32
      %dma_start3A_371 = arith.constant 0 : i32
      %dma_start3A_372 = tpu.memref_slice %arg11[%dma_start3A_364, %dma_start3A_369, %dma_start3A_370, %dma_start3A_371] : memref<3x16x512x128xf32, #tpu.memory_space<vmem>> -> memref<1x4x512x128xf32, #tpu.memory_space<vmem>>
      %dma_start3A_373 = tpu.memref_squeeze %dma_start3A_372 : memref<1x4x512x128xf32, #tpu.memory_space<vmem>> -> memref<4x512x128xf32, #tpu.memory_space<vmem>>
      %dma_start3A_374 = arith.constant 44 : i32
      %dma_start3A_375 = arith.constant 0 : i32
      %dma_start3A_376 = tpu.memref_slice %arg2[%dma_start3A_374, %get3A_2, %dma_start3A_375] : memref<256x1024x128xf32, #tpu.memory_space<any>> -> memref<4x512x128xf32, #tpu.memory_space<any>>
      tpu.enqueue_dma source(%dma_start3A_376 : memref<4x512x128xf32, #tpu.memory_space<any>>) target(%dma_start3A_373 : memref<4x512x128xf32, #tpu.memory_space<vmem>>) target_semaphore(%dma_start3A_368 : memref<!tpu.dma_semaphore, #tpu.memory_space<semaphore_mem>>)
      %dma_start3A_377 = arith.constant 1 : i32
      %dma_start3A_378 = arith.constant 1 : i32
      %dma_start3A_379 = arith.constant 0 : i32
      %dma_start3A_380 = tpu.memref_slice %arg12[%dma_start3A_378, %dma_start3A_379] : memref<3x4x!tpu.dma_semaphore, #tpu.memory_space<semaphore_mem>> -> memref<1x1x!tpu.dma_semaphore, #tpu.memory_space<semaphore_mem>>
      %dma_start3A_381 = tpu.memref_squeeze %dma_start3A_380 : memref<1x1x!tpu.dma_semaphore, #tpu.memory_space<semaphore_mem>> -> memref<!tpu.dma_semaphore, #tpu.memory_space<semaphore_mem>>
      %dma_start3A_382 = arith.constant 0 : i32
      %dma_start3A_383 = arith.constant 0 : i32
      %dma_start3A_384 = arith.constant 0 : i32
      %dma_start3A_385 = tpu.memref_slice %arg11[%dma_start3A_377, %dma_start3A_382, %dma_start3A_383, %dma_start3A_384] : memref<3x16x512x128xf32, #tpu.memory_space<vmem>> -> memref<1x4x512x128xf32, #tpu.memory_space<vmem>>
      %dma_start3A_386 = tpu.memref_squeeze %dma_start3A_385 : memref<1x4x512x128xf32, #tpu.memory_space<vmem>> -> memref<4x512x128xf32, #tpu.memory_space<vmem>>
      %dma_start3A_387 = arith.constant 48 : i32
      %dma_start3A_388 = arith.constant 0 : i32
      %dma_start3A_389 = tpu.memref_slice %arg2[%dma_start3A_387, %get3A_2, %dma_start3A_388] : memref<256x1024x128xf32, #tpu.memory_space<any>> -> memref<4x512x128xf32, #tpu.memory_space<any>>
      tpu.enqueue_dma source(%dma_start3A_389 : memref<4x512x128xf32, #tpu.memory_space<any>>) target(%dma_start3A_386 : memref<4x512x128xf32, #tpu.memory_space<vmem>>) target_semaphore(%dma_start3A_381 : memref<!tpu.dma_semaphore, #tpu.memory_space<semaphore_mem>>)
      %dma_start3A_390 = arith.constant 1 : i32
      %dma_start3A_391 = arith.constant 1 : i32
      %dma_start3A_392 = arith.constant 1 : i32
      %dma_start3A_393 = tpu.memref_slice %arg12[%dma_start3A_391, %dma_start3A_392] : memref<3x4x!tpu.dma_semaphore, #tpu.memory_space<semaphore_mem>> -> memref<1x1x!tpu.dma_semaphore, #tpu.memory_space<semaphore_mem>>
      %dma_start3A_394 = tpu.memref_squeeze %dma_start3A_393 : memref<1x1x!tpu.dma_semaphore, #tpu.memory_space<semaphore_mem>> -> memref<!tpu.dma_semaphore, #tpu.memory_space<semaphore_mem>>
      %dma_start3A_395 = arith.constant 4 : i32
      %dma_start3A_396 = arith.constant 0 : i32
      %dma_start3A_397 = arith.constant 0 : i32
      %dma_start3A_398 = tpu.memref_slice %arg11[%dma_start3A_390, %dma_start3A_395, %dma_start3A_396, %dma_start3A_397] : memref<3x16x512x128xf32, #tpu.memory_space<vmem>> -> memref<1x4x512x128xf32, #tpu.memory_space<vmem>>
      %dma_start3A_399 = tpu.memref_squeeze %dma_start3A_398 : memref<1x4x512x128xf32, #tpu.memory_space<vmem>> -> memref<4x512x128xf32, #tpu.memory_space<vmem>>
      %dma_start3A_400 = arith.constant 52 : i32
      %dma_start3A_401 = arith.constant 0 : i32
      %dma_start3A_402 = tpu.memref_slice %arg2[%dma_start3A_400, %get3A_2, %dma_start3A_401] : memref<256x1024x128xf32, #tpu.memory_space<any>> -> memref<4x512x128xf32, #tpu.memory_space<any>>
      tpu.enqueue_dma source(%dma_start3A_402 : memref<4x512x128xf32, #tpu.memory_space<any>>) target(%dma_start3A_399 : memref<4x512x128xf32, #tpu.memory_space<vmem>>) target_semaphore(%dma_start3A_394 : memref<!tpu.dma_semaphore, #tpu.memory_space<semaphore_mem>>)
      %dma_start3A_403 = arith.constant 1 : i32
      %dma_start3A_404 = arith.constant 1 : i32
      %dma_start3A_405 = arith.constant 2 : i32
      %dma_start3A_406 = tpu.memref_slice %arg12[%dma_start3A_404, %dma_start3A_405] : memref<3x4x!tpu.dma_semaphore, #tpu.memory_space<semaphore_mem>> -> memref<1x1x!tpu.dma_semaphore, #tpu.memory_space<semaphore_mem>>
      %dma_start3A_407 = tpu.memref_squeeze %dma_start3A_406 : memref<1x1x!tpu.dma_semaphore, #tpu.memory_space<semaphore_mem>> -> memref<!tpu.dma_semaphore, #tpu.memory_space<semaphore_mem>>
      %dma_start3A_408 = arith.constant 8 : i32
      %dma_start3A_409 = arith.constant 0 : i32
      %dma_start3A_410 = arith.constant 0 : i32
      %dma_start3A_411 = tpu.memref_slice %arg11[%dma_start3A_403, %dma_start3A_408, %dma_start3A_409, %dma_start3A_410] : memref<3x16x512x128xf32, #tpu.memory_space<vmem>> -> memref<1x4x512x128xf32, #tpu.memory_space<vmem>>
      %dma_start3A_412 = tpu.memref_squeeze %dma_start3A_411 : memref<1x4x512x128xf32, #tpu.memory_space<vmem>> -> memref<4x512x128xf32, #tpu.memory_space<vmem>>
      %dma_start3A_413 = arith.constant 56 : i32
      %dma_start3A_414 = arith.constant 0 : i32
      %dma_start3A_415 = tpu.memref_slice %arg2[%dma_start3A_413, %get3A_2, %dma_start3A_414] : memref<256x1024x128xf32, #tpu.memory_space<any>> -> memref<4x512x128xf32, #tpu.memory_space<any>>
      tpu.enqueue_dma source(%dma_start3A_415 : memref<4x512x128xf32, #tpu.memory_space<any>>) target(%dma_start3A_412 : memref<4x512x128xf32, #tpu.memory_space<vmem>>) target_semaphore(%dma_start3A_407 : memref<!tpu.dma_semaphore, #tpu.memory_space<semaphore_mem>>)
      %dma_start3A_416 = arith.constant 1 : i32
      %dma_start3A_417 = arith.constant 1 : i32
      %dma_start3A_418 = arith.constant 3 : i32
      %dma_start3A_419 = tpu.memref_slice %arg12[%dma_start3A_417, %dma_start3A_418] : memref<3x4x!tpu.dma_semaphore, #tpu.memory_space<semaphore_mem>> -> memref<1x1x!tpu.dma_semaphore, #tpu.memory_space<semaphore_mem>>
      %dma_start3A_420 = tpu.memref_squeeze %dma_start3A_419 : memref<1x1x!tpu.dma_semaphore, #tpu.memory_space<semaphore_mem>> -> memref<!tpu.dma_semaphore, #tpu.memory_space<semaphore_mem>>
      %dma_start3A_421 = arith.constant 12 : i32
      %dma_start3A_422 = arith.constant 0 : i32
      %dma_start3A_423 = arith.constant 0 : i32
      %dma_start3A_424 = tpu.memref_slice %arg11[%dma_start3A_416, %dma_start3A_421, %dma_start3A_422, %dma_start3A_423] : memref<3x16x512x128xf32, #tpu.memory_space<vmem>> -> memref<1x4x512x128xf32, #tpu.memory_space<vmem>>
      %dma_start3A_425 = tpu.memref_squeeze %dma_start3A_424 : memref<1x4x512x128xf32, #tpu.memory_space<vmem>> -> memref<4x512x128xf32, #tpu.memory_space<vmem>>
      %dma_start3A_426 = arith.constant 60 : i32
      %dma_start3A_427 = arith.constant 0 : i32
      %dma_start3A_428 = tpu.memref_slice %arg2[%dma_start3A_426, %get3A_2, %dma_start3A_427] : memref<256x1024x128xf32, #tpu.memory_space<any>> -> memref<4x512x128xf32, #tpu.memory_space<any>>
      tpu.enqueue_dma source(%dma_start3A_428 : memref<4x512x128xf32, #tpu.memory_space<any>>) target(%dma_start3A_425 : memref<4x512x128xf32, #tpu.memory_space<vmem>>) target_semaphore(%dma_start3A_420 : memref<!tpu.dma_semaphore, #tpu.memory_space<semaphore_mem>>)
    } else {
    }
    %add3A = arith.constant 2 : i32
    %add3A_5 = arith.addi %arg0, %add3A : i32
    %lt3A = arith.constant 14 : i32
    %lt3A_6 = arith.cmpi slt, %add3A_5, %lt3A : i32
    %convert_element_type3A_7 = arith.extui %lt3A_6 : i1 to i32
    %cond3A_8 = arith.constant 0 : i32
    %cond3A_9 = arith.cmpi ne, %convert_element_type3A_7, %cond3A_8 : i32
    scf.if %cond3A_9 {
      %add3A_326 = arith.constant 2 : i32
      %add3A_327 = arith.addi %arg0, %add3A_326 : i32
      %add3A_328 = arith.constant 2 : i32
      %add3A_329 = arith.addi %arg0, %add3A_328 : i32
      %jit3A_330 = arith.constant 3 : i32
      %eq3A_331 = arith.constant 0 : i32
      %eq3A_332 = arith.cmpi eq, %jit3A_330, %eq3A_331 : i32
      %jit3A_333 = arith.constant 1 : i32
      %select_n3A_334 = arith.select %eq3A_332, %jit3A_333, %jit3A_330 : i32
      %rem3A_335 = arith.remsi %add3A_329, %select_n3A_334 : i32
      %ne3A_336 = arith.constant 0 : i32
      %ne3A_337 = arith.cmpi ne, %rem3A_335, %ne3A_336 : i32
      %lt3A_338 = arith.constant 0 : i32
      %lt3A_339 = arith.cmpi slt, %rem3A_335, %lt3A_338 : i32
      %lt3A_340 = arith.constant 0 : i32
      %lt3A_341 = arith.cmpi slt, %select_n3A_334, %lt3A_340 : i32
      %ne3A_342 = arith.xori %lt3A_339, %lt3A_341 : i1
      %and3A_343 = arith.andi %ne3A_342, %ne3A_337 : i1
      %add3A_344 = arith.addi %rem3A_335, %select_n3A_334 : i32
      %select_n3A_345 = arith.select %and3A_343, %add3A_344, %rem3A_335 : i32
      %mul3A_346 = arith.constant 16 : i32
      %mul3A_347 = arith.muli %add3A_327, %mul3A_346 : i32
      %add3A_348 = arith.constant 32 : i32
      %add3A_349 = arith.addi %add3A_348, %mul3A_347 : i32
      %add3A_350 = arith.constant 0 : i32
      %add3A_351 = arith.addi %add3A_349, %add3A_350 : i32
      %mul3A_352 = arith.constant 16 : i32
      %mul3A_353 = arith.muli %add3A_327, %mul3A_352 : i32
      %add3A_354 = arith.constant 32 : i32
      %add3A_355 = arith.addi %add3A_354, %mul3A_353 : i32
      %add3A_356 = arith.constant 4 : i32
      %add3A_357 = arith.addi %add3A_355, %add3A_356 : i32
      %mul3A_358 = arith.constant 16 : i32
      %mul3A_359 = arith.muli %add3A_327, %mul3A_358 : i32
      %add3A_360 = arith.constant 32 : i32
      %add3A_361 = arith.addi %add3A_360, %mul3A_359 : i32
      %add3A_362 = arith.constant 8 : i32
      %add3A_363 = arith.addi %add3A_361, %add3A_362 : i32
      %mul3A_364 = arith.constant 16 : i32
      %mul3A_365 = arith.muli %add3A_327, %mul3A_364 : i32
      %add3A_366 = arith.constant 32 : i32
      %add3A_367 = arith.addi %add3A_366, %mul3A_365 : i32
      %add3A_368 = arith.constant 12 : i32
      %add3A_369 = arith.addi %add3A_367, %add3A_368 : i32
      %dma_start3A = arith.constant 0 : i32
      %dma_start3A_370 = tpu.memref_slice %arg12[%select_n3A_345, %dma_start3A] : memref<3x4x!tpu.dma_semaphore, #tpu.memory_space<semaphore_mem>> -> memref<1x1x!tpu.dma_semaphore, #tpu.memory_space<semaphore_mem>>
      %dma_start3A_371 = tpu.memref_squeeze %dma_start3A_370 : memref<1x1x!tpu.dma_semaphore, #tpu.memory_space<semaphore_mem>> -> memref<!tpu.dma_semaphore, #tpu.memory_space<semaphore_mem>>
      %dma_start3A_372 = arith.constant 0 : i32
      %dma_start3A_373 = arith.constant 0 : i32
      %dma_start3A_374 = arith.constant 0 : i32
      %dma_start3A_375 = tpu.memref_slice %arg11[%select_n3A_345, %dma_start3A_372, %dma_start3A_373, %dma_start3A_374] : memref<3x16x512x128xf32, #tpu.memory_space<vmem>> -> memref<1x4x512x128xf32, #tpu.memory_space<vmem>>
      %dma_start3A_376 = tpu.memref_squeeze %dma_start3A_375 : memref<1x4x512x128xf32, #tpu.memory_space<vmem>> -> memref<4x512x128xf32, #tpu.memory_space<vmem>>
      %dma_start3A_377 = arith.constant 0 : i32
      %dma_start3A_378 = tpu.memref_slice %arg2[%add3A_351, %get3A_2, %dma_start3A_377] : memref<256x1024x128xf32, #tpu.memory_space<any>> -> memref<4x512x128xf32, #tpu.memory_space<any>>
      tpu.enqueue_dma source(%dma_start3A_378 : memref<4x512x128xf32, #tpu.memory_space<any>>) target(%dma_start3A_376 : memref<4x512x128xf32, #tpu.memory_space<vmem>>) target_semaphore(%dma_start3A_371 : memref<!tpu.dma_semaphore, #tpu.memory_space<semaphore_mem>>)
      %dma_start3A_379 = arith.constant 1 : i32
      %dma_start3A_380 = tpu.memref_slice %arg12[%select_n3A_345, %dma_start3A_379] : memref<3x4x!tpu.dma_semaphore, #tpu.memory_space<semaphore_mem>> -> memref<1x1x!tpu.dma_semaphore, #tpu.memory_space<semaphore_mem>>
      %dma_start3A_381 = tpu.memref_squeeze %dma_start3A_380 : memref<1x1x!tpu.dma_semaphore, #tpu.memory_space<semaphore_mem>> -> memref<!tpu.dma_semaphore, #tpu.memory_space<semaphore_mem>>
      %dma_start3A_382 = arith.constant 4 : i32
      %dma_start3A_383 = arith.constant 0 : i32
      %dma_start3A_384 = arith.constant 0 : i32
      %dma_start3A_385 = tpu.memref_slice %arg11[%select_n3A_345, %dma_start3A_382, %dma_start3A_383, %dma_start3A_384] : memref<3x16x512x128xf32, #tpu.memory_space<vmem>> -> memref<1x4x512x128xf32, #tpu.memory_space<vmem>>
      %dma_start3A_386 = tpu.memref_squeeze %dma_start3A_385 : memref<1x4x512x128xf32, #tpu.memory_space<vmem>> -> memref<4x512x128xf32, #tpu.memory_space<vmem>>
      %dma_start3A_387 = arith.constant 0 : i32
      %dma_start3A_388 = tpu.memref_slice %arg2[%add3A_357, %get3A_2, %dma_start3A_387] : memref<256x1024x128xf32, #tpu.memory_space<any>> -> memref<4x512x128xf32, #tpu.memory_space<any>>
      tpu.enqueue_dma source(%dma_start3A_388 : memref<4x512x128xf32, #tpu.memory_space<any>>) target(%dma_start3A_386 : memref<4x512x128xf32, #tpu.memory_space<vmem>>) target_semaphore(%dma_start3A_381 : memref<!tpu.dma_semaphore, #tpu.memory_space<semaphore_mem>>)
      %dma_start3A_389 = arith.constant 2 : i32
      %dma_start3A_390 = tpu.memref_slice %arg12[%select_n3A_345, %dma_start3A_389] : memref<3x4x!tpu.dma_semaphore, #tpu.memory_space<semaphore_mem>> -> memref<1x1x!tpu.dma_semaphore, #tpu.memory_space<semaphore_mem>>
      %dma_start3A_391 = tpu.memref_squeeze %dma_start3A_390 : memref<1x1x!tpu.dma_semaphore, #tpu.memory_space<semaphore_mem>> -> memref<!tpu.dma_semaphore, #tpu.memory_space<semaphore_mem>>
      %dma_start3A_392 = arith.constant 8 : i32
      %dma_start3A_393 = arith.constant 0 : i32
      %dma_start3A_394 = arith.constant 0 : i32
      %dma_start3A_395 = tpu.memref_slice %arg11[%select_n3A_345, %dma_start3A_392, %dma_start3A_393, %dma_start3A_394] : memref<3x16x512x128xf32, #tpu.memory_space<vmem>> -> memref<1x4x512x128xf32, #tpu.memory_space<vmem>>
      %dma_start3A_396 = tpu.memref_squeeze %dma_start3A_395 : memref<1x4x512x128xf32, #tpu.memory_space<vmem>> -> memref<4x512x128xf32, #tpu.memory_space<vmem>>
      %dma_start3A_397 = arith.constant 0 : i32
      %dma_start3A_398 = tpu.memref_slice %arg2[%add3A_363, %get3A_2, %dma_start3A_397] : memref<256x1024x128xf32, #tpu.memory_space<any>> -> memref<4x512x128xf32, #tpu.memory_space<any>>
      tpu.enqueue_dma source(%dma_start3A_398 : memref<4x512x128xf32, #tpu.memory_space<any>>) target(%dma_start3A_396 : memref<4x512x128xf32, #tpu.memory_space<vmem>>) target_semaphore(%dma_start3A_391 : memref<!tpu.dma_semaphore, #tpu.memory_space<semaphore_mem>>)
      %dma_start3A_399 = arith.constant 3 : i32
      %dma_start3A_400 = tpu.memref_slice %arg12[%select_n3A_345, %dma_start3A_399] : memref<3x4x!tpu.dma_semaphore, #tpu.memory_space<semaphore_mem>> -> memref<1x1x!tpu.dma_semaphore, #tpu.memory_space<semaphore_mem>>
      %dma_start3A_401 = tpu.memref_squeeze %dma_start3A_400 : memref<1x1x!tpu.dma_semaphore, #tpu.memory_space<semaphore_mem>> -> memref<!tpu.dma_semaphore, #tpu.memory_space<semaphore_mem>>
      %dma_start3A_402 = arith.constant 12 : i32
      %dma_start3A_403 = arith.constant 0 : i32
      %dma_start3A_404 = arith.constant 0 : i32
      %dma_start3A_405 = tpu.memref_slice %arg11[%select_n3A_345, %dma_start3A_402, %dma_start3A_403, %dma_start3A_404] : memref<3x16x512x128xf32, #tpu.memory_space<vmem>> -> memref<1x4x512x128xf32, #tpu.memory_space<vmem>>
      %dma_start3A_406 = tpu.memref_squeeze %dma_start3A_405 : memref<1x4x512x128xf32, #tpu.memory_space<vmem>> -> memref<4x512x128xf32, #tpu.memory_space<vmem>>
      %dma_start3A_407 = arith.constant 0 : i32
      %dma_start3A_408 = tpu.memref_slice %arg2[%add3A_369, %get3A_2, %dma_start3A_407] : memref<256x1024x128xf32, #tpu.memory_space<any>> -> memref<4x512x128xf32, #tpu.memory_space<any>>
      tpu.enqueue_dma source(%dma_start3A_408 : memref<4x512x128xf32, #tpu.memory_space<any>>) target(%dma_start3A_406 : memref<4x512x128xf32, #tpu.memory_space<vmem>>) target_semaphore(%dma_start3A_401 : memref<!tpu.dma_semaphore, #tpu.memory_space<semaphore_mem>>)
    } else {
    }
    %get3A_10 = arith.constant 0 : index
    %get3A_11 = arith.constant 0 : index
    %get3A_12 = vector.load %arg3[%get3A_10, %get3A_11] : memref<16x128xf32, #tpu.memory_space<vmem>>, vector<16x128xf32>
    %get3A_13 = arith.constant 0 : index
    %get3A_14 = arith.constant 0 : index
    %get3A_15 = vector.load %arg4[%get3A_13, %get3A_14] : memref<128x128xf32, #tpu.memory_space<vmem>>, vector<128x128xf32>
    %dot_general3A = arith.constant dense<0.000000e+00> : vector<16x128xf32>
    %dot_general3A_16 = tpu.matmul %get3A_12, %get3A_15, %dot_general3A {dimension_numbers = #tpu.dot_dimension_numbers<[1], [1], [0], [0], [0, 0, 1, 0], [], []>, transpose_lhs_hint = false} : vector<16x128xf32>, vector<128x128xf32>, vector<16x128xf32> -> vector<16x128xf32>
    %get3A_17 = arith.constant 0 : index
    %get3A_18 = arith.constant 0 : index
    %get3A_19 = vector.load %arg5[%get3A_17, %get3A_18] : memref<1x128xf32, #tpu.memory_space<vmem>>, vector<1x128xf32>
    %add3A_20 = vector.broadcast %get3A_19 : vector<1x128xf32> to vector<16x128xf32>
    %add3A_21 = arith.addf %dot_general3A_16, %add3A_20 : vector<16x128xf32>
    %get3A_22 = arith.constant 0 : index
    %get3A_23 = arith.constant 0 : index
    %get3A_24 = vector.load %arg6[%get3A_22, %get3A_23] : memref<128x128xf32, #tpu.memory_space<vmem>>, vector<128x128xf32>
    %dot_general3A_25 = arith.constant dense<0.000000e+00> : vector<16x128xf32>
    %dot_general3A_26 = tpu.matmul %add3A_21, %get3A_24, %dot_general3A_25 {dimension_numbers = #tpu.dot_dimension_numbers<[1], [0], [0], [1], [0, 0, 1, 1], [], []>, transpose_lhs_hint = false} : vector<16x128xf32>, vector<128x128xf32>, vector<16x128xf32> -> vector<16x128xf32>
    %get3A_27 = arith.constant 0 : index
    %get3A_28 = arith.constant 0 : index
    %get3A_29 = vector.load %arg7[%get3A_27, %get3A_28] : memref<1x128xf32, #tpu.memory_space<vmem>>, vector<1x128xf32>
    %mul3A = vector.broadcast %get3A_29 : vector<1x128xf32> to vector<16x128xf32>
    %mul3A_30 = arith.mulf %add3A_21, %mul3A : vector<16x128xf32>
    %reduce_sum3A = arith.constant dense<0.000000e+00> : vector<16xf32>
    %reduce_sum3A_31 = vector.multi_reduction <add>, %mul3A_30, %reduce_sum3A [1] : vector<16x128xf32> to vector<16xf32>
    %broadcast_in_dim3A = vector.shape_cast %reduce_sum3A_31 : vector<16xf32> to vector<16x1xf32>
    %jit3A = arith.constant 3 : i32
    %eq3A_32 = arith.constant 0 : i32
    %eq3A_33 = arith.cmpi eq, %jit3A, %eq3A_32 : i32
    %jit3A_34 = arith.constant 1 : i32
    %select_n3A = arith.select %eq3A_33, %jit3A_34, %jit3A : i32
    %rem3A = arith.remsi %arg0, %select_n3A : i32
    %ne3A = arith.constant 0 : i32
    %ne3A_35 = arith.cmpi ne, %rem3A, %ne3A : i32
    %lt3A_36 = arith.constant 0 : i32
    %lt3A_37 = arith.cmpi slt, %rem3A, %lt3A_36 : i32
    %lt3A_38 = arith.constant 0 : i32
    %lt3A_39 = arith.cmpi slt, %select_n3A, %lt3A_38 : i32
    %ne3A_40 = arith.xori %lt3A_37, %lt3A_39 : i1
    %and3A = arith.andi %ne3A_40, %ne3A_35 : i1
    %add3A_41 = arith.addi %rem3A, %select_n3A : i32
    %select_n3A_42 = arith.select %and3A, %add3A_41, %rem3A : i32
    %mul3A_43 = arith.constant 16 : i32
    %mul3A_44 = arith.muli %arg0, %mul3A_43 : i32
    %add3A_45 = arith.constant 32 : i32
    %add3A_46 = arith.addi %add3A_45, %mul3A_44 : i32
    %add3A_47 = arith.constant 0 : i32
    %add3A_48 = arith.addi %add3A_46, %add3A_47 : i32
    %mul3A_49 = arith.constant 16 : i32
    %mul3A_50 = arith.muli %arg0, %mul3A_49 : i32
    %add3A_51 = arith.constant 32 : i32
    %add3A_52 = arith.addi %add3A_51, %mul3A_50 : i32
    %add3A_53 = arith.constant 4 : i32
    %add3A_54 = arith.addi %add3A_52, %add3A_53 : i32
    %mul3A_55 = arith.constant 16 : i32
    %mul3A_56 = arith.muli %arg0, %mul3A_55 : i32
    %add3A_57 = arith.constant 32 : i32
    %add3A_58 = arith.addi %add3A_57, %mul3A_56 : i32
    %add3A_59 = arith.constant 8 : i32
    %add3A_60 = arith.addi %add3A_58, %add3A_59 : i32
    %mul3A_61 = arith.constant 16 : i32
    %mul3A_62 = arith.muli %arg0, %mul3A_61 : i32
    %add3A_63 = arith.constant 32 : i32
    %add3A_64 = arith.addi %add3A_63, %mul3A_62 : i32
    %add3A_65 = arith.constant 12 : i32
    %add3A_66 = arith.addi %add3A_64, %add3A_65 : i32
    %dma_wait3A = arith.constant 0 : i32
    %dma_wait3A_67 = tpu.memref_slice %arg12[%select_n3A_42, %dma_wait3A] : memref<3x4x!tpu.dma_semaphore, #tpu.memory_space<semaphore_mem>> -> memref<1x1x!tpu.dma_semaphore, #tpu.memory_space<semaphore_mem>>
    %dma_wait3A_68 = tpu.memref_squeeze %dma_wait3A_67 : memref<1x1x!tpu.dma_semaphore, #tpu.memory_space<semaphore_mem>> -> memref<!tpu.dma_semaphore, #tpu.memory_space<semaphore_mem>>
    %dma_wait3A_69 = arith.constant 0 : i32
    %dma_wait3A_70 = arith.constant 0 : i32
    %dma_wait3A_71 = arith.constant 0 : i32
    %dma_wait3A_72 = tpu.memref_slice %arg11[%select_n3A_42, %dma_wait3A_69, %dma_wait3A_70, %dma_wait3A_71] : memref<3x16x512x128xf32, #tpu.memory_space<vmem>> -> memref<1x4x512x128xf32, #tpu.memory_space<vmem>>
    %dma_wait3A_73 = tpu.memref_squeeze %dma_wait3A_72 : memref<1x4x512x128xf32, #tpu.memory_space<vmem>> -> memref<4x512x128xf32, #tpu.memory_space<vmem>>
    %dma_wait3A_74 = arith.constant 0 : i32
    %dma_wait3A_75 = tpu.memref_slice %arg2[%add3A_48, %get3A_2, %dma_wait3A_74] : memref<256x1024x128xf32, #tpu.memory_space<any>> -> memref<4x512x128xf32, #tpu.memory_space<any>>
    tpu.wait_dma2 semaphore(%dma_wait3A_68 : memref<!tpu.dma_semaphore, #tpu.memory_space<semaphore_mem>>) src(%dma_wait3A_75 : memref<4x512x128xf32, #tpu.memory_space<any>>) dst(%dma_wait3A_73 : memref<4x512x128xf32, #tpu.memory_space<vmem>>)
    %dma_wait3A_76 = arith.constant 1 : i32
    %dma_wait3A_77 = tpu.memref_slice %arg12[%select_n3A_42, %dma_wait3A_76] : memref<3x4x!tpu.dma_semaphore, #tpu.memory_space<semaphore_mem>> -> memref<1x1x!tpu.dma_semaphore, #tpu.memory_space<semaphore_mem>>
    %dma_wait3A_78 = tpu.memref_squeeze %dma_wait3A_77 : memref<1x1x!tpu.dma_semaphore, #tpu.memory_space<semaphore_mem>> -> memref<!tpu.dma_semaphore, #tpu.memory_space<semaphore_mem>>
    %dma_wait3A_79 = arith.constant 4 : i32
    %dma_wait3A_80 = arith.constant 0 : i32
    %dma_wait3A_81 = arith.constant 0 : i32
    %dma_wait3A_82 = tpu.memref_slice %arg11[%select_n3A_42, %dma_wait3A_79, %dma_wait3A_80, %dma_wait3A_81] : memref<3x16x512x128xf32, #tpu.memory_space<vmem>> -> memref<1x4x512x128xf32, #tpu.memory_space<vmem>>
    %dma_wait3A_83 = tpu.memref_squeeze %dma_wait3A_82 : memref<1x4x512x128xf32, #tpu.memory_space<vmem>> -> memref<4x512x128xf32, #tpu.memory_space<vmem>>
    %dma_wait3A_84 = arith.constant 0 : i32
    %dma_wait3A_85 = tpu.memref_slice %arg2[%add3A_54, %get3A_2, %dma_wait3A_84] : memref<256x1024x128xf32, #tpu.memory_space<any>> -> memref<4x512x128xf32, #tpu.memory_space<any>>
    tpu.wait_dma2 semaphore(%dma_wait3A_78 : memref<!tpu.dma_semaphore, #tpu.memory_space<semaphore_mem>>) src(%dma_wait3A_85 : memref<4x512x128xf32, #tpu.memory_space<any>>) dst(%dma_wait3A_83 : memref<4x512x128xf32, #tpu.memory_space<vmem>>)
    %dma_wait3A_86 = arith.constant 2 : i32
    %dma_wait3A_87 = tpu.memref_slice %arg12[%select_n3A_42, %dma_wait3A_86] : memref<3x4x!tpu.dma_semaphore, #tpu.memory_space<semaphore_mem>> -> memref<1x1x!tpu.dma_semaphore, #tpu.memory_space<semaphore_mem>>
    %dma_wait3A_88 = tpu.memref_squeeze %dma_wait3A_87 : memref<1x1x!tpu.dma_semaphore, #tpu.memory_space<semaphore_mem>> -> memref<!tpu.dma_semaphore, #tpu.memory_space<semaphore_mem>>
    %dma_wait3A_89 = arith.constant 8 : i32
    %dma_wait3A_90 = arith.constant 0 : i32
    %dma_wait3A_91 = arith.constant 0 : i32
    %dma_wait3A_92 = tpu.memref_slice %arg11[%select_n3A_42, %dma_wait3A_89, %dma_wait3A_90, %dma_wait3A_91] : memref<3x16x512x128xf32, #tpu.memory_space<vmem>> -> memref<1x4x512x128xf32, #tpu.memory_space<vmem>>
    %dma_wait3A_93 = tpu.memref_squeeze %dma_wait3A_92 : memref<1x4x512x128xf32, #tpu.memory_space<vmem>> -> memref<4x512x128xf32, #tpu.memory_space<vmem>>
    %dma_wait3A_94 = arith.constant 0 : i32
    %dma_wait3A_95 = tpu.memref_slice %arg2[%add3A_60, %get3A_2, %dma_wait3A_94] : memref<256x1024x128xf32, #tpu.memory_space<any>> -> memref<4x512x128xf32, #tpu.memory_space<any>>
    tpu.wait_dma2 semaphore(%dma_wait3A_88 : memref<!tpu.dma_semaphore, #tpu.memory_space<semaphore_mem>>) src(%dma_wait3A_95 : memref<4x512x128xf32, #tpu.memory_space<any>>) dst(%dma_wait3A_93 : memref<4x512x128xf32, #tpu.memory_space<vmem>>)
    %dma_wait3A_96 = arith.constant 3 : i32
    %dma_wait3A_97 = tpu.memref_slice %arg12[%select_n3A_42, %dma_wait3A_96] : memref<3x4x!tpu.dma_semaphore, #tpu.memory_space<semaphore_mem>> -> memref<1x1x!tpu.dma_semaphore, #tpu.memory_space<semaphore_mem>>
    %dma_wait3A_98 = tpu.memref_squeeze %dma_wait3A_97 : memref<1x1x!tpu.dma_semaphore, #tpu.memory_space<semaphore_mem>> -> memref<!tpu.dma_semaphore, #tpu.memory_space<semaphore_mem>>
    %dma_wait3A_99 = arith.constant 12 : i32
    %dma_wait3A_100 = arith.constant 0 : i32
    %dma_wait3A_101 = arith.constant 0 : i32
    %dma_wait3A_102 = tpu.memref_slice %arg11[%select_n3A_42, %dma_wait3A_99, %dma_wait3A_100, %dma_wait3A_101] : memref<3x16x512x128xf32, #tpu.memory_space<vmem>> -> memref<1x4x512x128xf32, #tpu.memory_space<vmem>>
    %dma_wait3A_103 = tpu.memref_squeeze %dma_wait3A_102 : memref<1x4x512x128xf32, #tpu.memory_space<vmem>> -> memref<4x512x128xf32, #tpu.memory_space<vmem>>
    %dma_wait3A_104 = arith.constant 0 : i32
    %dma_wait3A_105 = tpu.memref_slice %arg2[%add3A_66, %get3A_2, %dma_wait3A_104] : memref<256x1024x128xf32, #tpu.memory_space<any>> -> memref<4x512x128xf32, #tpu.memory_space<any>>
    tpu.wait_dma2 semaphore(%dma_wait3A_98 : memref<!tpu.dma_semaphore, #tpu.memory_space<semaphore_mem>>) src(%dma_wait3A_105 : memref<4x512x128xf32, #tpu.memory_space<any>>) dst(%dma_wait3A_103 : memref<4x512x128xf32, #tpu.memory_space<vmem>>)
    %jit3A_106 = arith.constant 3 : i32
    %eq3A_107 = arith.constant 0 : i32
    %eq3A_108 = arith.cmpi eq, %jit3A_106, %eq3A_107 : i32
    %jit3A_109 = arith.constant 1 : i32
    %select_n3A_110 = arith.select %eq3A_108, %jit3A_109, %jit3A_106 : i32
    %rem3A_111 = arith.remsi %arg0, %select_n3A_110 : i32
    %ne3A_112 = arith.constant 0 : i32
    %ne3A_113 = arith.cmpi ne, %rem3A_111, %ne3A_112 : i32
    %lt3A_114 = arith.constant 0 : i32
    %lt3A_115 = arith.cmpi slt, %rem3A_111, %lt3A_114 : i32
    %lt3A_116 = arith.constant 0 : i32
    %lt3A_117 = arith.cmpi slt, %select_n3A_110, %lt3A_116 : i32
    %ne3A_118 = arith.xori %lt3A_115, %lt3A_117 : i1
    %and3A_119 = arith.andi %ne3A_118, %ne3A_113 : i1
    %add3A_120 = arith.addi %rem3A_111, %select_n3A_110 : i32
    %select_n3A_121 = arith.select %and3A_119, %add3A_120, %rem3A_111 : i32
    %get3A_122 = arith.index_cast %select_n3A_121 : i32 to index
    %get3A_123 = arith.constant 0 : index
    %get3A_124 = arith.constant 0 : index
    %get3A_125 = arith.constant 0 : index
    %get3A_126 = vector.load %arg11[%get3A_122, %get3A_123, %get3A_124, %get3A_125] : memref<3x16x512x128xf32, #tpu.memory_space<vmem>>, vector<1x16x512x128xf32>
    %get3A_127 = vector.shape_cast %get3A_126 : vector<1x16x512x128xf32> to vector<16x512x128xf32>
    %iota3A = tpu.iota {dimensions = array<i32: 1>} : vector<1x512xi32>
    %add3A_128 = vector.broadcast %get3A_2 : i32 to vector<1x512xi32>
    %add3A_129 = arith.addi %add3A_128, %iota3A : vector<1x512xi32>
    %lt3A_130 = vector.broadcast %get3A_0 : i32 to vector<1x512xi32>
    %lt3A_131 = arith.cmpi slt, %add3A_129, %lt3A_130 : vector<1x512xi32>
    %slice3A = vector.extract_strided_slice %dot_general3A_26 {offsets = [0, 0], sizes = [1, 128], strides = [1, 1]} : vector<16x128xf32> to vector<1x128xf32>
    %slice3A_132 = vector.extract_strided_slice %get3A_127 {offsets = [0, 0, 0], sizes = [1, 512, 128], strides = [1, 1, 1]} : vector<16x512x128xf32> to vector<1x512x128xf32>
    %squeeze3A = vector.shape_cast %slice3A_132 : vector<1x512x128xf32> to vector<512x128xf32>
    %dot_general3A_133 = arith.constant dense<0.000000e+00> : vector<1x512xf32>
    %dot_general3A_134 = tpu.matmul %slice3A, %squeeze3A, %dot_general3A_133 {dimension_numbers = #tpu.dot_dimension_numbers<[1], [1], [0], [0], [0, 0, 1, 0], [], []>, transpose_lhs_hint = false} : vector<1x128xf32>, vector<512x128xf32>, vector<1x512xf32> -> vector<1x512xf32>
    %slice3A_135 = vector.extract_strided_slice %dot_general3A_26 {offsets = [1, 0], sizes = [1, 128], strides = [1, 1]} : vector<16x128xf32> to vector<1x128xf32>
    %slice3A_136 = vector.extract_strided_slice %get3A_127 {offsets = [1, 0, 0], sizes = [1, 512, 128], strides = [1, 1, 1]} : vector<16x512x128xf32> to vector<1x512x128xf32>
    %squeeze3A_137 = vector.shape_cast %slice3A_136 : vector<1x512x128xf32> to vector<512x128xf32>
    %dot_general3A_138 = arith.constant dense<0.000000e+00> : vector<1x512xf32>
    %dot_general3A_139 = tpu.matmul %slice3A_135, %squeeze3A_137, %dot_general3A_138 {dimension_numbers = #tpu.dot_dimension_numbers<[1], [1], [0], [0], [0, 0, 1, 0], [], []>, transpose_lhs_hint = false} : vector<1x128xf32>, vector<512x128xf32>, vector<1x512xf32> -> vector<1x512xf32>
    %slice3A_140 = vector.extract_strided_slice %dot_general3A_26 {offsets = [2, 0], sizes = [1, 128], strides = [1, 1]} : vector<16x128xf32> to vector<1x128xf32>
    %slice3A_141 = vector.extract_strided_slice %get3A_127 {offsets = [2, 0, 0], sizes = [1, 512, 128], strides = [1, 1, 1]} : vector<16x512x128xf32> to vector<1x512x128xf32>
    %squeeze3A_142 = vector.shape_cast %slice3A_141 : vector<1x512x128xf32> to vector<512x128xf32>
    %dot_general3A_143 = arith.constant dense<0.000000e+00> : vector<1x512xf32>
    %dot_general3A_144 = tpu.matmul %slice3A_140, %squeeze3A_142, %dot_general3A_143 {dimension_numbers = #tpu.dot_dimension_numbers<[1], [1], [0], [0], [0, 0, 1, 0], [], []>, transpose_lhs_hint = false} : vector<1x128xf32>, vector<512x128xf32>, vector<1x512xf32> -> vector<1x512xf32>
    %slice3A_145 = vector.extract_strided_slice %dot_general3A_26 {offsets = [3, 0], sizes = [1, 128], strides = [1, 1]} : vector<16x128xf32> to vector<1x128xf32>
    %slice3A_146 = vector.extract_strided_slice %get3A_127 {offsets = [3, 0, 0], sizes = [1, 512, 128], strides = [1, 1, 1]} : vector<16x512x128xf32> to vector<1x512x128xf32>
    %squeeze3A_147 = vector.shape_cast %slice3A_146 : vector<1x512x128xf32> to vector<512x128xf32>
    %dot_general3A_148 = arith.constant dense<0.000000e+00> : vector<1x512xf32>
    %dot_general3A_149 = tpu.matmul %slice3A_145, %squeeze3A_147, %dot_general3A_148 {dimension_numbers = #tpu.dot_dimension_numbers<[1], [1], [0], [0], [0, 0, 1, 0], [], []>, transpose_lhs_hint = false} : vector<1x128xf32>, vector<512x128xf32>, vector<1x512xf32> -> vector<1x512xf32>
    %slice3A_150 = vector.extract_strided_slice %dot_general3A_26 {offsets = [4, 0], sizes = [1, 128], strides = [1, 1]} : vector<16x128xf32> to vector<1x128xf32>
    %slice3A_151 = vector.extract_strided_slice %get3A_127 {offsets = [4, 0, 0], sizes = [1, 512, 128], strides = [1, 1, 1]} : vector<16x512x128xf32> to vector<1x512x128xf32>
    %squeeze3A_152 = vector.shape_cast %slice3A_151 : vector<1x512x128xf32> to vector<512x128xf32>
    %dot_general3A_153 = arith.constant dense<0.000000e+00> : vector<1x512xf32>
    %dot_general3A_154 = tpu.matmul %slice3A_150, %squeeze3A_152, %dot_general3A_153 {dimension_numbers = #tpu.dot_dimension_numbers<[1], [1], [0], [0], [0, 0, 1, 0], [], []>, transpose_lhs_hint = false} : vector<1x128xf32>, vector<512x128xf32>, vector<1x512xf32> -> vector<1x512xf32>
    %slice3A_155 = vector.extract_strided_slice %dot_general3A_26 {offsets = [5, 0], sizes = [1, 128], strides = [1, 1]} : vector<16x128xf32> to vector<1x128xf32>
    %slice3A_156 = vector.extract_strided_slice %get3A_127 {offsets = [5, 0, 0], sizes = [1, 512, 128], strides = [1, 1, 1]} : vector<16x512x128xf32> to vector<1x512x128xf32>
    %squeeze3A_157 = vector.shape_cast %slice3A_156 : vector<1x512x128xf32> to vector<512x128xf32>
    %dot_general3A_158 = arith.constant dense<0.000000e+00> : vector<1x512xf32>
    %dot_general3A_159 = tpu.matmul %slice3A_155, %squeeze3A_157, %dot_general3A_158 {dimension_numbers = #tpu.dot_dimension_numbers<[1], [1], [0], [0], [0, 0, 1, 0], [], []>, transpose_lhs_hint = false} : vector<1x128xf32>, vector<512x128xf32>, vector<1x512xf32> -> vector<1x512xf32>
    %slice3A_160 = vector.extract_strided_slice %dot_general3A_26 {offsets = [6, 0], sizes = [1, 128], strides = [1, 1]} : vector<16x128xf32> to vector<1x128xf32>
    %slice3A_161 = vector.extract_strided_slice %get3A_127 {offsets = [6, 0, 0], sizes = [1, 512, 128], strides = [1, 1, 1]} : vector<16x512x128xf32> to vector<1x512x128xf32>
    %squeeze3A_162 = vector.shape_cast %slice3A_161 : vector<1x512x128xf32> to vector<512x128xf32>
    %dot_general3A_163 = arith.constant dense<0.000000e+00> : vector<1x512xf32>
    %dot_general3A_164 = tpu.matmul %slice3A_160, %squeeze3A_162, %dot_general3A_163 {dimension_numbers = #tpu.dot_dimension_numbers<[1], [1], [0], [0], [0, 0, 1, 0], [], []>, transpose_lhs_hint = false} : vector<1x128xf32>, vector<512x128xf32>, vector<1x512xf32> -> vector<1x512xf32>
    %slice3A_165 = vector.extract_strided_slice %dot_general3A_26 {offsets = [7, 0], sizes = [1, 128], strides = [1, 1]} : vector<16x128xf32> to vector<1x128xf32>
    %slice3A_166 = vector.extract_strided_slice %get3A_127 {offsets = [7, 0, 0], sizes = [1, 512, 128], strides = [1, 1, 1]} : vector<16x512x128xf32> to vector<1x512x128xf32>
    %squeeze3A_167 = vector.shape_cast %slice3A_166 : vector<1x512x128xf32> to vector<512x128xf32>
    %dot_general3A_168 = arith.constant dense<0.000000e+00> : vector<1x512xf32>
    %dot_general3A_169 = tpu.matmul %slice3A_165, %squeeze3A_167, %dot_general3A_168 {dimension_numbers = #tpu.dot_dimension_numbers<[1], [1], [0], [0], [0, 0, 1, 0], [], []>, transpose_lhs_hint = false} : vector<1x128xf32>, vector<512x128xf32>, vector<1x512xf32> -> vector<1x512xf32>
    %slice3A_170 = vector.extract_strided_slice %dot_general3A_26 {offsets = [8, 0], sizes = [1, 128], strides = [1, 1]} : vector<16x128xf32> to vector<1x128xf32>
    %slice3A_171 = vector.extract_strided_slice %get3A_127 {offsets = [8, 0, 0], sizes = [1, 512, 128], strides = [1, 1, 1]} : vector<16x512x128xf32> to vector<1x512x128xf32>
    %squeeze3A_172 = vector.shape_cast %slice3A_171 : vector<1x512x128xf32> to vector<512x128xf32>
    %dot_general3A_173 = arith.constant dense<0.000000e+00> : vector<1x512xf32>
    %dot_general3A_174 = tpu.matmul %slice3A_170, %squeeze3A_172, %dot_general3A_173 {dimension_numbers = #tpu.dot_dimension_numbers<[1], [1], [0], [0], [0, 0, 1, 0], [], []>, transpose_lhs_hint = false} : vector<1x128xf32>, vector<512x128xf32>, vector<1x512xf32> -> vector<1x512xf32>
    %slice3A_175 = vector.extract_strided_slice %dot_general3A_26 {offsets = [9, 0], sizes = [1, 128], strides = [1, 1]} : vector<16x128xf32> to vector<1x128xf32>
    %slice3A_176 = vector.extract_strided_slice %get3A_127 {offsets = [9, 0, 0], sizes = [1, 512, 128], strides = [1, 1, 1]} : vector<16x512x128xf32> to vector<1x512x128xf32>
    %squeeze3A_177 = vector.shape_cast %slice3A_176 : vector<1x512x128xf32> to vector<512x128xf32>
    %dot_general3A_178 = arith.constant dense<0.000000e+00> : vector<1x512xf32>
    %dot_general3A_179 = tpu.matmul %slice3A_175, %squeeze3A_177, %dot_general3A_178 {dimension_numbers = #tpu.dot_dimension_numbers<[1], [1], [0], [0], [0, 0, 1, 0], [], []>, transpose_lhs_hint = false} : vector<1x128xf32>, vector<512x128xf32>, vector<1x512xf32> -> vector<1x512xf32>
    %slice3A_180 = vector.extract_strided_slice %dot_general3A_26 {offsets = [10, 0], sizes = [1, 128], strides = [1, 1]} : vector<16x128xf32> to vector<1x128xf32>
    %slice3A_181 = vector.extract_strided_slice %get3A_127 {offsets = [10, 0, 0], sizes = [1, 512, 128], strides = [1, 1, 1]} : vector<16x512x128xf32> to vector<1x512x128xf32>
    %squeeze3A_182 = vector.shape_cast %slice3A_181 : vector<1x512x128xf32> to vector<512x128xf32>
    %dot_general3A_183 = arith.constant dense<0.000000e+00> : vector<1x512xf32>
    %dot_general3A_184 = tpu.matmul %slice3A_180, %squeeze3A_182, %dot_general3A_183 {dimension_numbers = #tpu.dot_dimension_numbers<[1], [1], [0], [0], [0, 0, 1, 0], [], []>, transpose_lhs_hint = false} : vector<1x128xf32>, vector<512x128xf32>, vector<1x512xf32> -> vector<1x512xf32>
    %slice3A_185 = vector.extract_strided_slice %dot_general3A_26 {offsets = [11, 0], sizes = [1, 128], strides = [1, 1]} : vector<16x128xf32> to vector<1x128xf32>
    %slice3A_186 = vector.extract_strided_slice %get3A_127 {offsets = [11, 0, 0], sizes = [1, 512, 128], strides = [1, 1, 1]} : vector<16x512x128xf32> to vector<1x512x128xf32>
    %squeeze3A_187 = vector.shape_cast %slice3A_186 : vector<1x512x128xf32> to vector<512x128xf32>
    %dot_general3A_188 = arith.constant dense<0.000000e+00> : vector<1x512xf32>
    %dot_general3A_189 = tpu.matmul %slice3A_185, %squeeze3A_187, %dot_general3A_188 {dimension_numbers = #tpu.dot_dimension_numbers<[1], [1], [0], [0], [0, 0, 1, 0], [], []>, transpose_lhs_hint = false} : vector<1x128xf32>, vector<512x128xf32>, vector<1x512xf32> -> vector<1x512xf32>
    %slice3A_190 = vector.extract_strided_slice %dot_general3A_26 {offsets = [12, 0], sizes = [1, 128], strides = [1, 1]} : vector<16x128xf32> to vector<1x128xf32>
    %slice3A_191 = vector.extract_strided_slice %get3A_127 {offsets = [12, 0, 0], sizes = [1, 512, 128], strides = [1, 1, 1]} : vector<16x512x128xf32> to vector<1x512x128xf32>
    %squeeze3A_192 = vector.shape_cast %slice3A_191 : vector<1x512x128xf32> to vector<512x128xf32>
    %dot_general3A_193 = arith.constant dense<0.000000e+00> : vector<1x512xf32>
    %dot_general3A_194 = tpu.matmul %slice3A_190, %squeeze3A_192, %dot_general3A_193 {dimension_numbers = #tpu.dot_dimension_numbers<[1], [1], [0], [0], [0, 0, 1, 0], [], []>, transpose_lhs_hint = false} : vector<1x128xf32>, vector<512x128xf32>, vector<1x512xf32> -> vector<1x512xf32>
    %slice3A_195 = vector.extract_strided_slice %dot_general3A_26 {offsets = [13, 0], sizes = [1, 128], strides = [1, 1]} : vector<16x128xf32> to vector<1x128xf32>
    %slice3A_196 = vector.extract_strided_slice %get3A_127 {offsets = [13, 0, 0], sizes = [1, 512, 128], strides = [1, 1, 1]} : vector<16x512x128xf32> to vector<1x512x128xf32>
    %squeeze3A_197 = vector.shape_cast %slice3A_196 : vector<1x512x128xf32> to vector<512x128xf32>
    %dot_general3A_198 = arith.constant dense<0.000000e+00> : vector<1x512xf32>
    %dot_general3A_199 = tpu.matmul %slice3A_195, %squeeze3A_197, %dot_general3A_198 {dimension_numbers = #tpu.dot_dimension_numbers<[1], [1], [0], [0], [0, 0, 1, 0], [], []>, transpose_lhs_hint = false} : vector<1x128xf32>, vector<512x128xf32>, vector<1x512xf32> -> vector<1x512xf32>
    %slice3A_200 = vector.extract_strided_slice %dot_general3A_26 {offsets = [14, 0], sizes = [1, 128], strides = [1, 1]} : vector<16x128xf32> to vector<1x128xf32>
    %slice3A_201 = vector.extract_strided_slice %get3A_127 {offsets = [14, 0, 0], sizes = [1, 512, 128], strides = [1, 1, 1]} : vector<16x512x128xf32> to vector<1x512x128xf32>
    %squeeze3A_202 = vector.shape_cast %slice3A_201 : vector<1x512x128xf32> to vector<512x128xf32>
    %dot_general3A_203 = arith.constant dense<0.000000e+00> : vector<1x512xf32>
    %dot_general3A_204 = tpu.matmul %slice3A_200, %squeeze3A_202, %dot_general3A_203 {dimension_numbers = #tpu.dot_dimension_numbers<[1], [1], [0], [0], [0, 0, 1, 0], [], []>, transpose_lhs_hint = false} : vector<1x128xf32>, vector<512x128xf32>, vector<1x512xf32> -> vector<1x512xf32>
    %slice3A_205 = vector.extract_strided_slice %dot_general3A_26 {offsets = [15, 0], sizes = [1, 128], strides = [1, 1]} : vector<16x128xf32> to vector<1x128xf32>
    %slice3A_206 = vector.extract_strided_slice %get3A_127 {offsets = [15, 0, 0], sizes = [1, 512, 128], strides = [1, 1, 1]} : vector<16x512x128xf32> to vector<1x512x128xf32>
    %squeeze3A_207 = vector.shape_cast %slice3A_206 : vector<1x512x128xf32> to vector<512x128xf32>
    %dot_general3A_208 = arith.constant dense<0.000000e+00> : vector<1x512xf32>
    %dot_general3A_209 = tpu.matmul %slice3A_205, %squeeze3A_207, %dot_general3A_208 {dimension_numbers = #tpu.dot_dimension_numbers<[1], [1], [0], [0], [0, 0, 1, 0], [], []>, transpose_lhs_hint = false} : vector<1x128xf32>, vector<512x128xf32>, vector<1x512xf32> -> vector<1x512xf32>
    %concatenate3A = tpu.concatenate %dot_general3A_134, %dot_general3A_139, %dot_general3A_144, %dot_general3A_149, %dot_general3A_154, %dot_general3A_159, %dot_general3A_164, %dot_general3A_169, %dot_general3A_174, %dot_general3A_179, %dot_general3A_184, %dot_general3A_189, %dot_general3A_194, %dot_general3A_199, %dot_general3A_204, %dot_general3A_209 in 0 : vector<1x512xf32>, vector<1x512xf32>, vector<1x512xf32>, vector<1x512xf32>, vector<1x512xf32>, vector<1x512xf32>, vector<1x512xf32>, vector<1x512xf32>, vector<1x512xf32>, vector<1x512xf32>, vector<1x512xf32>, vector<1x512xf32>, vector<1x512xf32>, vector<1x512xf32>, vector<1x512xf32>, vector<1x512xf32> -> vector<16x512xf32>
    %jit3A_210 = arith.constant 0.000000e+00 : f32
    %broadcast_in_dim3A_211 = vector.shape_cast %lt3A_131 : vector<1x512xi1> to vector<1x512xi1>
    %broadcast_in_dim3A_212 = vector.broadcast %broadcast_in_dim3A_211 : vector<1x512xi1> to vector<16x512xi1>
    %broadcast_in_dim3A_213 = vector.broadcast %jit3A_210 : f32 to vector<16x512xf32>
    %select_n3A_214 = arith.select %broadcast_in_dim3A_212, %concatenate3A, %broadcast_in_dim3A_213 : vector<16x512xi1>, vector<16x512xf32>
    %add3A_215 = vector.broadcast %broadcast_in_dim3A : vector<16x1xf32> to vector<16x512xf32>
    %add3A_216 = arith.addf %select_n3A_214, %add3A_215 : vector<16x512xf32>
    %mul3A_217 = arith.constant 0.0883883461 : f32
    %mul3A_218 = vector.broadcast %mul3A_217 : f32 to vector<16x512xf32>
    %mul3A_219 = arith.mulf %add3A_216, %mul3A_218 : vector<16x512xf32>
    %reduce_max3A = arith.constant dense<0xFF800000> : vector<16xf32>
    %reduce_max3A_220 = vector.multi_reduction <maximumf>, %mul3A_219, %reduce_max3A [1] : vector<16x512xf32> to vector<16xf32>
    %broadcast_in_dim3A_221 = vector.shape_cast %reduce_max3A_220 : vector<16xf32> to vector<16x1xf32>
    %sub3A = vector.broadcast %broadcast_in_dim3A_221 : vector<16x1xf32> to vector<16x512xf32>
    %sub3A_222 = arith.subf %mul3A_219, %sub3A : vector<16x512xf32>
    %exp3A = math.exp %sub3A_222 : vector<16x512xf32>
    %reduce_sum3A_223 = arith.constant dense<0.000000e+00> : vector<16xf32>
    %reduce_sum3A_224 = vector.multi_reduction <add>, %exp3A, %reduce_sum3A_223 [1] : vector<16x512xf32> to vector<16xf32>
    %broadcast_in_dim3A_225 = vector.shape_cast %reduce_sum3A_224 : vector<16xf32> to vector<16x1xf32>
    %jit3A_226 = arith.constant 0.000000e+00 : f32
    %broadcast_in_dim3A_227 = vector.shape_cast %lt3A_131 : vector<1x512xi1> to vector<1x512xi1>
    %broadcast_in_dim3A_228 = vector.broadcast %broadcast_in_dim3A_227 : vector<1x512xi1> to vector<16x512xi1>
    %broadcast_in_dim3A_229 = vector.broadcast %jit3A_226 : f32 to vector<16x512xf32>
    %select_n3A_230 = arith.select %broadcast_in_dim3A_228, %exp3A, %broadcast_in_dim3A_229 : vector<16x512xi1>, vector<16x512xf32>
    %div3A = vector.broadcast %broadcast_in_dim3A_225 : vector<16x1xf32> to vector<16x512xf32>
    %div3A_231 = arith.divf %select_n3A_230, %div3A : vector<16x512xf32>
    %slice3A_232 = vector.extract_strided_slice %div3A_231 {offsets = [0, 0], sizes = [1, 512], strides = [1, 1]} : vector<16x512xf32> to vector<1x512xf32>
    %slice3A_233 = vector.extract_strided_slice %get3A_127 {offsets = [0, 0, 0], sizes = [1, 512, 128], strides = [1, 1, 1]} : vector<16x512x128xf32> to vector<1x512x128xf32>
    %squeeze3A_234 = vector.shape_cast %slice3A_233 : vector<1x512x128xf32> to vector<512x128xf32>
    %dot_general3A_235 = arith.constant dense<0.000000e+00> : vector<1x128xf32>
    %dot_general3A_236 = tpu.matmul %slice3A_232, %squeeze3A_234, %dot_general3A_235 {dimension_numbers = #tpu.dot_dimension_numbers<[1], [0], [0], [1], [0, 0, 1, 1], [], []>, transpose_lhs_hint = false} : vector<1x512xf32>, vector<512x128xf32>, vector<1x128xf32> -> vector<1x128xf32>
    %slice3A_237 = vector.extract_strided_slice %div3A_231 {offsets = [1, 0], sizes = [1, 512], strides = [1, 1]} : vector<16x512xf32> to vector<1x512xf32>
    %slice3A_238 = vector.extract_strided_slice %get3A_127 {offsets = [1, 0, 0], sizes = [1, 512, 128], strides = [1, 1, 1]} : vector<16x512x128xf32> to vector<1x512x128xf32>
    %squeeze3A_239 = vector.shape_cast %slice3A_238 : vector<1x512x128xf32> to vector<512x128xf32>
    %dot_general3A_240 = arith.constant dense<0.000000e+00> : vector<1x128xf32>
    %dot_general3A_241 = tpu.matmul %slice3A_237, %squeeze3A_239, %dot_general3A_240 {dimension_numbers = #tpu.dot_dimension_numbers<[1], [0], [0], [1], [0, 0, 1, 1], [], []>, transpose_lhs_hint = false} : vector<1x512xf32>, vector<512x128xf32>, vector<1x128xf32> -> vector<1x128xf32>
    %slice3A_242 = vector.extract_strided_slice %div3A_231 {offsets = [2, 0], sizes = [1, 512], strides = [1, 1]} : vector<16x512xf32> to vector<1x512xf32>
    %slice3A_243 = vector.extract_strided_slice %get3A_127 {offsets = [2, 0, 0], sizes = [1, 512, 128], strides = [1, 1, 1]} : vector<16x512x128xf32> to vector<1x512x128xf32>
    %squeeze3A_244 = vector.shape_cast %slice3A_243 : vector<1x512x128xf32> to vector<512x128xf32>
    %dot_general3A_245 = arith.constant dense<0.000000e+00> : vector<1x128xf32>
    %dot_general3A_246 = tpu.matmul %slice3A_242, %squeeze3A_244, %dot_general3A_245 {dimension_numbers = #tpu.dot_dimension_numbers<[1], [0], [0], [1], [0, 0, 1, 1], [], []>, transpose_lhs_hint = false} : vector<1x512xf32>, vector<512x128xf32>, vector<1x128xf32> -> vector<1x128xf32>
    %slice3A_247 = vector.extract_strided_slice %div3A_231 {offsets = [3, 0], sizes = [1, 512], strides = [1, 1]} : vector<16x512xf32> to vector<1x512xf32>
    %slice3A_248 = vector.extract_strided_slice %get3A_127 {offsets = [3, 0, 0], sizes = [1, 512, 128], strides = [1, 1, 1]} : vector<16x512x128xf32> to vector<1x512x128xf32>
    %squeeze3A_249 = vector.shape_cast %slice3A_248 : vector<1x512x128xf32> to vector<512x128xf32>
    %dot_general3A_250 = arith.constant dense<0.000000e+00> : vector<1x128xf32>
    %dot_general3A_251 = tpu.matmul %slice3A_247, %squeeze3A_249, %dot_general3A_250 {dimension_numbers = #tpu.dot_dimension_numbers<[1], [0], [0], [1], [0, 0, 1, 1], [], []>, transpose_lhs_hint = false} : vector<1x512xf32>, vector<512x128xf32>, vector<1x128xf32> -> vector<1x128xf32>
    %slice3A_252 = vector.extract_strided_slice %div3A_231 {offsets = [4, 0], sizes = [1, 512], strides = [1, 1]} : vector<16x512xf32> to vector<1x512xf32>
    %slice3A_253 = vector.extract_strided_slice %get3A_127 {offsets = [4, 0, 0], sizes = [1, 512, 128], strides = [1, 1, 1]} : vector<16x512x128xf32> to vector<1x512x128xf32>
    %squeeze3A_254 = vector.shape_cast %slice3A_253 : vector<1x512x128xf32> to vector<512x128xf32>
    %dot_general3A_255 = arith.constant dense<0.000000e+00> : vector<1x128xf32>
    %dot_general3A_256 = tpu.matmul %slice3A_252, %squeeze3A_254, %dot_general3A_255 {dimension_numbers = #tpu.dot_dimension_numbers<[1], [0], [0], [1], [0, 0, 1, 1], [], []>, transpose_lhs_hint = false} : vector<1x512xf32>, vector<512x128xf32>, vector<1x128xf32> -> vector<1x128xf32>
    %slice3A_257 = vector.extract_strided_slice %div3A_231 {offsets = [5, 0], sizes = [1, 512], strides = [1, 1]} : vector<16x512xf32> to vector<1x512xf32>
    %slice3A_258 = vector.extract_strided_slice %get3A_127 {offsets = [5, 0, 0], sizes = [1, 512, 128], strides = [1, 1, 1]} : vector<16x512x128xf32> to vector<1x512x128xf32>
    %squeeze3A_259 = vector.shape_cast %slice3A_258 : vector<1x512x128xf32> to vector<512x128xf32>
    %dot_general3A_260 = arith.constant dense<0.000000e+00> : vector<1x128xf32>
    %dot_general3A_261 = tpu.matmul %slice3A_257, %squeeze3A_259, %dot_general3A_260 {dimension_numbers = #tpu.dot_dimension_numbers<[1], [0], [0], [1], [0, 0, 1, 1], [], []>, transpose_lhs_hint = false} : vector<1x512xf32>, vector<512x128xf32>, vector<1x128xf32> -> vector<1x128xf32>
    %slice3A_262 = vector.extract_strided_slice %div3A_231 {offsets = [6, 0], sizes = [1, 512], strides = [1, 1]} : vector<16x512xf32> to vector<1x512xf32>
    %slice3A_263 = vector.extract_strided_slice %get3A_127 {offsets = [6, 0, 0], sizes = [1, 512, 128], strides = [1, 1, 1]} : vector<16x512x128xf32> to vector<1x512x128xf32>
    %squeeze3A_264 = vector.shape_cast %slice3A_263 : vector<1x512x128xf32> to vector<512x128xf32>
    %dot_general3A_265 = arith.constant dense<0.000000e+00> : vector<1x128xf32>
    %dot_general3A_266 = tpu.matmul %slice3A_262, %squeeze3A_264, %dot_general3A_265 {dimension_numbers = #tpu.dot_dimension_numbers<[1], [0], [0], [1], [0, 0, 1, 1], [], []>, transpose_lhs_hint = false} : vector<1x512xf32>, vector<512x128xf32>, vector<1x128xf32> -> vector<1x128xf32>
    %slice3A_267 = vector.extract_strided_slice %div3A_231 {offsets = [7, 0], sizes = [1, 512], strides = [1, 1]} : vector<16x512xf32> to vector<1x512xf32>
    %slice3A_268 = vector.extract_strided_slice %get3A_127 {offsets = [7, 0, 0], sizes = [1, 512, 128], strides = [1, 1, 1]} : vector<16x512x128xf32> to vector<1x512x128xf32>
    %squeeze3A_269 = vector.shape_cast %slice3A_268 : vector<1x512x128xf32> to vector<512x128xf32>
    %dot_general3A_270 = arith.constant dense<0.000000e+00> : vector<1x128xf32>
    %dot_general3A_271 = tpu.matmul %slice3A_267, %squeeze3A_269, %dot_general3A_270 {dimension_numbers = #tpu.dot_dimension_numbers<[1], [0], [0], [1], [0, 0, 1, 1], [], []>, transpose_lhs_hint = false} : vector<1x512xf32>, vector<512x128xf32>, vector<1x128xf32> -> vector<1x128xf32>
    %slice3A_272 = vector.extract_strided_slice %div3A_231 {offsets = [8, 0], sizes = [1, 512], strides = [1, 1]} : vector<16x512xf32> to vector<1x512xf32>
    %slice3A_273 = vector.extract_strided_slice %get3A_127 {offsets = [8, 0, 0], sizes = [1, 512, 128], strides = [1, 1, 1]} : vector<16x512x128xf32> to vector<1x512x128xf32>
    %squeeze3A_274 = vector.shape_cast %slice3A_273 : vector<1x512x128xf32> to vector<512x128xf32>
    %dot_general3A_275 = arith.constant dense<0.000000e+00> : vector<1x128xf32>
    %dot_general3A_276 = tpu.matmul %slice3A_272, %squeeze3A_274, %dot_general3A_275 {dimension_numbers = #tpu.dot_dimension_numbers<[1], [0], [0], [1], [0, 0, 1, 1], [], []>, transpose_lhs_hint = false} : vector<1x512xf32>, vector<512x128xf32>, vector<1x128xf32> -> vector<1x128xf32>
    %slice3A_277 = vector.extract_strided_slice %div3A_231 {offsets = [9, 0], sizes = [1, 512], strides = [1, 1]} : vector<16x512xf32> to vector<1x512xf32>
    %slice3A_278 = vector.extract_strided_slice %get3A_127 {offsets = [9, 0, 0], sizes = [1, 512, 128], strides = [1, 1, 1]} : vector<16x512x128xf32> to vector<1x512x128xf32>
    %squeeze3A_279 = vector.shape_cast %slice3A_278 : vector<1x512x128xf32> to vector<512x128xf32>
    %dot_general3A_280 = arith.constant dense<0.000000e+00> : vector<1x128xf32>
    %dot_general3A_281 = tpu.matmul %slice3A_277, %squeeze3A_279, %dot_general3A_280 {dimension_numbers = #tpu.dot_dimension_numbers<[1], [0], [0], [1], [0, 0, 1, 1], [], []>, transpose_lhs_hint = false} : vector<1x512xf32>, vector<512x128xf32>, vector<1x128xf32> -> vector<1x128xf32>
    %slice3A_282 = vector.extract_strided_slice %div3A_231 {offsets = [10, 0], sizes = [1, 512], strides = [1, 1]} : vector<16x512xf32> to vector<1x512xf32>
    %slice3A_283 = vector.extract_strided_slice %get3A_127 {offsets = [10, 0, 0], sizes = [1, 512, 128], strides = [1, 1, 1]} : vector<16x512x128xf32> to vector<1x512x128xf32>
    %squeeze3A_284 = vector.shape_cast %slice3A_283 : vector<1x512x128xf32> to vector<512x128xf32>
    %dot_general3A_285 = arith.constant dense<0.000000e+00> : vector<1x128xf32>
    %dot_general3A_286 = tpu.matmul %slice3A_282, %squeeze3A_284, %dot_general3A_285 {dimension_numbers = #tpu.dot_dimension_numbers<[1], [0], [0], [1], [0, 0, 1, 1], [], []>, transpose_lhs_hint = false} : vector<1x512xf32>, vector<512x128xf32>, vector<1x128xf32> -> vector<1x128xf32>
    %slice3A_287 = vector.extract_strided_slice %div3A_231 {offsets = [11, 0], sizes = [1, 512], strides = [1, 1]} : vector<16x512xf32> to vector<1x512xf32>
    %slice3A_288 = vector.extract_strided_slice %get3A_127 {offsets = [11, 0, 0], sizes = [1, 512, 128], strides = [1, 1, 1]} : vector<16x512x128xf32> to vector<1x512x128xf32>
    %squeeze3A_289 = vector.shape_cast %slice3A_288 : vector<1x512x128xf32> to vector<512x128xf32>
    %dot_general3A_290 = arith.constant dense<0.000000e+00> : vector<1x128xf32>
    %dot_general3A_291 = tpu.matmul %slice3A_287, %squeeze3A_289, %dot_general3A_290 {dimension_numbers = #tpu.dot_dimension_numbers<[1], [0], [0], [1], [0, 0, 1, 1], [], []>, transpose_lhs_hint = false} : vector<1x512xf32>, vector<512x128xf32>, vector<1x128xf32> -> vector<1x128xf32>
    %slice3A_292 = vector.extract_strided_slice %div3A_231 {offsets = [12, 0], sizes = [1, 512], strides = [1, 1]} : vector<16x512xf32> to vector<1x512xf32>
    %slice3A_293 = vector.extract_strided_slice %get3A_127 {offsets = [12, 0, 0], sizes = [1, 512, 128], strides = [1, 1, 1]} : vector<16x512x128xf32> to vector<1x512x128xf32>
    %squeeze3A_294 = vector.shape_cast %slice3A_293 : vector<1x512x128xf32> to vector<512x128xf32>
    %dot_general3A_295 = arith.constant dense<0.000000e+00> : vector<1x128xf32>
    %dot_general3A_296 = tpu.matmul %slice3A_292, %squeeze3A_294, %dot_general3A_295 {dimension_numbers = #tpu.dot_dimension_numbers<[1], [0], [0], [1], [0, 0, 1, 1], [], []>, transpose_lhs_hint = false} : vector<1x512xf32>, vector<512x128xf32>, vector<1x128xf32> -> vector<1x128xf32>
    %slice3A_297 = vector.extract_strided_slice %div3A_231 {offsets = [13, 0], sizes = [1, 512], strides = [1, 1]} : vector<16x512xf32> to vector<1x512xf32>
    %slice3A_298 = vector.extract_strided_slice %get3A_127 {offsets = [13, 0, 0], sizes = [1, 512, 128], strides = [1, 1, 1]} : vector<16x512x128xf32> to vector<1x512x128xf32>
    %squeeze3A_299 = vector.shape_cast %slice3A_298 : vector<1x512x128xf32> to vector<512x128xf32>
    %dot_general3A_300 = arith.constant dense<0.000000e+00> : vector<1x128xf32>
    %dot_general3A_301 = tpu.matmul %slice3A_297, %squeeze3A_299, %dot_general3A_300 {dimension_numbers = #tpu.dot_dimension_numbers<[1], [0], [0], [1], [0, 0, 1, 1], [], []>, transpose_lhs_hint = false} : vector<1x512xf32>, vector<512x128xf32>, vector<1x128xf32> -> vector<1x128xf32>
    %slice3A_302 = vector.extract_strided_slice %div3A_231 {offsets = [14, 0], sizes = [1, 512], strides = [1, 1]} : vector<16x512xf32> to vector<1x512xf32>
    %slice3A_303 = vector.extract_strided_slice %get3A_127 {offsets = [14, 0, 0], sizes = [1, 512, 128], strides = [1, 1, 1]} : vector<16x512x128xf32> to vector<1x512x128xf32>
    %squeeze3A_304 = vector.shape_cast %slice3A_303 : vector<1x512x128xf32> to vector<512x128xf32>
    %dot_general3A_305 = arith.constant dense<0.000000e+00> : vector<1x128xf32>
    %dot_general3A_306 = tpu.matmul %slice3A_302, %squeeze3A_304, %dot_general3A_305 {dimension_numbers = #tpu.dot_dimension_numbers<[1], [0], [0], [1], [0, 0, 1, 1], [], []>, transpose_lhs_hint = false} : vector<1x512xf32>, vector<512x128xf32>, vector<1x128xf32> -> vector<1x128xf32>
    %slice3A_307 = vector.extract_strided_slice %div3A_231 {offsets = [15, 0], sizes = [1, 512], strides = [1, 1]} : vector<16x512xf32> to vector<1x512xf32>
    %slice3A_308 = vector.extract_strided_slice %get3A_127 {offsets = [15, 0, 0], sizes = [1, 512, 128], strides = [1, 1, 1]} : vector<16x512x128xf32> to vector<1x512x128xf32>
    %squeeze3A_309 = vector.shape_cast %slice3A_308 : vector<1x512x128xf32> to vector<512x128xf32>
    %dot_general3A_310 = arith.constant dense<0.000000e+00> : vector<1x128xf32>
    %dot_general3A_311 = tpu.matmul %slice3A_307, %squeeze3A_309, %dot_general3A_310 {dimension_numbers = #tpu.dot_dimension_numbers<[1], [0], [0], [1], [0, 0, 1, 1], [], []>, transpose_lhs_hint = false} : vector<1x512xf32>, vector<512x128xf32>, vector<1x128xf32> -> vector<1x128xf32>
    %concatenate3A_312 = tpu.concatenate %dot_general3A_236, %dot_general3A_241, %dot_general3A_246, %dot_general3A_251, %dot_general3A_256, %dot_general3A_261, %dot_general3A_266, %dot_general3A_271, %dot_general3A_276, %dot_general3A_281, %dot_general3A_286, %dot_general3A_291, %dot_general3A_296, %dot_general3A_301, %dot_general3A_306, %dot_general3A_311 in 0 : vector<1x128xf32>, vector<1x128xf32>, vector<1x128xf32>, vector<1x128xf32>, vector<1x128xf32>, vector<1x128xf32>, vector<1x128xf32>, vector<1x128xf32>, vector<1x128xf32>, vector<1x128xf32>, vector<1x128xf32>, vector<1x128xf32>, vector<1x128xf32>, vector<1x128xf32>, vector<1x128xf32>, vector<1x128xf32> -> vector<16x128xf32>
    %add3A_313 = arith.addf %concatenate3A_312, %get3A_12 : vector<16x128xf32>
    %get3A_314 = arith.constant 0 : index
    %get3A_315 = arith.constant 0 : index
    %get3A_316 = vector.load %arg8[%get3A_314, %get3A_315] : memref<128x128xf32, #tpu.memory_space<vmem>>, vector<128x128xf32>
    %dot_general3A_317 = arith.constant dense<0.000000e+00> : vector<16x128xf32>
    %dot_general3A_318 = tpu.matmul %add3A_313, %get3A_316, %dot_general3A_317 {dimension_numbers = #tpu.dot_dimension_numbers<[1], [1], [0], [0], [0, 0, 1, 0], [], []>, transpose_lhs_hint = false} : vector<16x128xf32>, vector<128x128xf32>, vector<16x128xf32> -> vector<16x128xf32>
    %get3A_319 = arith.constant 0 : index
    %get3A_320 = arith.constant 0 : index
    %get3A_321 = vector.load %arg9[%get3A_319, %get3A_320] : memref<1x128xf32, #tpu.memory_space<vmem>>, vector<1x128xf32>
    %add3A_322 = vector.broadcast %get3A_321 : vector<1x128xf32> to vector<16x128xf32>
    %add3A_323 = arith.addf %dot_general3A_318, %add3A_322 : vector<16x128xf32>
    %swap3A = arith.constant 0 : index
    %swap3A_324 = arith.constant 0 : index
    %swap3A_325 = vector.load %arg10[%swap3A, %swap3A_324] : memref<16x128xf32, #tpu.memory_space<vmem>>, vector<16x128xf32>
    tpu.vector_store %arg10[%swap3A, %swap3A_324], %add3A_323 {strides = array<i32>} : memref<16x128xf32, #tpu.memory_space<vmem>>, vector<16x128xf32>,
    return
  }
  func.func @transform_0(%arg0: i32) -> i32 {
    %c0_i32 = arith.constant 0 : i32
    %c0_i32_0 = arith.constant 0 : i32
    return %c0_i32 : i32
  }
  func.func @transform_2(%arg0: i32) -> (i32, i32) {
    %add3A = arith.constant 2 : i32
    %add3A_0 = arith.addi %arg0, %add3A : i32
    %c0_i32 = arith.constant 0 : i32
    %c0_i32_1 = arith.constant 0 : i32
    return %add3A_0, %c0_i32 : i32, i32
  }
  func.func @transform_3(%arg0: i32) -> (i32, i32) {
    %c0_i32 = arith.constant 0 : i32
    %c0_i32_0 = arith.constant 0 : i32
    %c0_i32_1 = arith.constant 0 : i32
    return %c0_i32, %c0_i32_0 : i32, i32
  }
  func.func @transform_4(%arg0: i32) -> (i32, i32) {
    %c0_i32 = arith.constant 0 : i32
    %c0_i32_0 = arith.constant 0 : i32
    %c0_i32_1 = arith.constant 0 : i32
    return %c0_i32, %c0_i32_0 : i32, i32
  }
  func.func @transform_5(%arg0: i32) -> (i32, i32) {
    %c0_i32 = arith.constant 0 : i32
    %c0_i32_0 = arith.constant 0 : i32
    %c0_i32_1 = arith.constant 0 : i32
    return %c0_i32, %c0_i32_0 : i32, i32
  }
  func.func @transform_6(%arg0: i32) -> (i32, i32) {
    %c0_i32 = arith.constant 0 : i32
    %c0_i32_0 = arith.constant 0 : i32
    %c0_i32_1 = arith.constant 0 : i32
    return %c0_i32, %c0_i32_0 : i32, i32
  }
  func.func @transform_7(%arg0: i32) -> (i32, i32) {
    %c0_i32 = arith.constant 0 : i32
    %c0_i32_0 = arith.constant 0 : i32
    %c0_i32_1 = arith.constant 0 : i32
    return %c0_i32, %c0_i32_0 : i32, i32
  }
  func.func @transform_8(%arg0: i32) -> (i32, i32) {
    %c0_i32 = arith.constant 0 : i32
    %c0_i32_0 = arith.constant 0 : i32
    %c0_i32_1 = arith.constant 0 : i32
    return %c0_i32, %c0_i32_0 : i32, i32
  }
  func.func @transform_9(%arg0: i32) -> (i32, i32) {
    %c0_i32 = arith.constant 0 : i32
    %c0_i32_0 = arith.constant 0 : i32
    return %arg0, %c0_i32 : i32, i32
  }
}

module attributes {stable_mosaic.version = 14 : i64} {
  func.func @_logits_body(%arg0: i32, %arg1: memref<32x128xf32, #tpu.memory_space<vmem>>, %arg2: memref<32x128xf32, #tpu.memory_space<vmem>>, %arg3: memref<128x128xf32, #tpu.memory_space<vmem>>, %arg4: memref<1x128xf32, #tpu.memory_space<vmem>>, %arg5: memref<32x128xf32, #tpu.memory_space<vmem>>) attributes {dimension_semantics = [#tpu.dimension_semantics<arbitrary>], iteration_bounds = array<i64: 1>, scalar_prefetch = 0 : i64, scratch_operands = 0 : i64, tpu.core_type = #tpu.core_type<tc>, window_params = [{pipeline_mode = #tpu.pipeline_mode<synchronous>, transform_indices = @transform_0, window_bounds = array<i64: 32, 128>}, {transform_indices = @transform_1, window_bounds = array<i64: 32, 128>}, {pipeline_mode = #tpu.pipeline_mode<synchronous>, transform_indices = @transform_2, window_bounds = array<i64: 128, 128>}, {pipeline_mode = #tpu.pipeline_mode<synchronous>, transform_indices = @transform_3, window_bounds = array<i64: 1, 128>}, {pipeline_mode = #tpu.pipeline_mode<synchronous>, transform_indices = @transform_4, window_bounds = array<i64: 32, 128>}]} {
    %get3A = arith.constant 0 : index
    %get3A_0 = arith.constant 0 : index
    %get3A_1 = vector.load %arg1[%get3A, %get3A_0] : memref<32x128xf32, #tpu.memory_space<vmem>>, vector<32x128xf32>
    %get3A_2 = arith.constant 0 : index
    %get3A_3 = arith.constant 0 : index
    %get3A_4 = vector.load %arg2[%get3A_2, %get3A_3] : memref<32x128xf32, #tpu.memory_space<vmem>>, vector<32x128xf32>
    %add3A = arith.addf %get3A_1, %get3A_4 : vector<32x128xf32>
    %get3A_5 = arith.constant 0 : index
    %get3A_6 = arith.constant 0 : index
    %get3A_7 = vector.load %arg3[%get3A_5, %get3A_6] : memref<128x128xf32, #tpu.memory_space<vmem>>, vector<128x128xf32>
    %dot_general3A = arith.constant dense<0.000000e+00> : vector<32x128xf32>
    %dot_general3A_8 = tpu.matmul %add3A, %get3A_7, %dot_general3A {dimension_numbers = #tpu.dot_dimension_numbers<[1], [1], [0], [0], [0, 0, 1, 0], [], []>, transpose_lhs_hint = false} : vector<32x128xf32>, vector<128x128xf32>, vector<32x128xf32> -> vector<32x128xf32>
    %get3A_9 = arith.constant 0 : index
    %get3A_10 = arith.constant 0 : index
    %get3A_11 = vector.load %arg4[%get3A_9, %get3A_10] : memref<1x128xf32, #tpu.memory_space<vmem>>, vector<1x128xf32>
    %add3A_12 = vector.broadcast %get3A_11 : vector<1x128xf32> to vector<32x128xf32>
    %add3A_13 = arith.addf %dot_general3A_8, %add3A_12 : vector<32x128xf32>
    %swap3A = arith.constant 0 : index
    %swap3A_14 = arith.constant 0 : index
    %swap3A_15 = vector.load %arg5[%swap3A, %swap3A_14] : memref<32x128xf32, #tpu.memory_space<vmem>>, vector<32x128xf32>
    tpu.vector_store %arg5[%swap3A, %swap3A_14], %add3A_13 {strides = array<i32>} : memref<32x128xf32, #tpu.memory_space<vmem>>, vector<32x128xf32>,
    return
  }
  func.func @transform_0(%arg0: i32) -> (i32, i32) {
    %c0_i32 = arith.constant 0 : i32
    %c0_i32_0 = arith.constant 0 : i32
    %c0_i32_1 = arith.constant 0 : i32
    return %c0_i32, %c0_i32_0 : i32, i32
  }
  func.func @transform_1(%arg0: i32) -> (i32, i32) {
    %c0_i32 = arith.constant 0 : i32
    %c0_i32_0 = arith.constant 0 : i32
    %c0_i32_1 = arith.constant 0 : i32
    return %c0_i32, %c0_i32_0 : i32, i32
  }
  func.func @transform_2(%arg0: i32) -> (i32, i32) {
    %c0_i32 = arith.constant 0 : i32
    %c0_i32_0 = arith.constant 0 : i32
    %c0_i32_1 = arith.constant 0 : i32
    return %c0_i32, %c0_i32_0 : i32, i32
  }
  func.func @transform_3(%arg0: i32) -> (i32, i32) {
    %c0_i32 = arith.constant 0 : i32
    %c0_i32_0 = arith.constant 0 : i32
    %c0_i32_1 = arith.constant 0 : i32
    return %c0_i32, %c0_i32_0 : i32, i32
  }
  func.func @transform_4(%arg0: i32) -> (i32, i32) {
    %c0_i32 = arith.constant 0 : i32
    %c0_i32_0 = arith.constant 0 : i32
    %c0_i32_1 = arith.constant 0 : i32
    return %c0_i32, %c0_i32_0 : i32, i32
  }
}

</mosaic_0001>

<sc_bundles>
// kernel: kernel.6.cloned.1.call-start
scs
__scs_entry_jumppad:
0x0: {  	(pc) =	sbr.rel $0x88, $3  }
0x1: {  	(tag) =	ssettag $0x0;
	lr =	simm.s32 $0x1  }
0x2: {  	[smem:$0x3F98] =	sst lr;
	_ =	strace $0xD0000000  }
0x3: {  	_ = 	snop  }
0x4: {  	_ = 	snop  }
0x5: {  	_ = 	snop  }
0x6: {  	_ = 	snop  }
0x7: {  	_ = 	snop  }
__scs_overlays_trampoline_lowered:
0x8: {  	[smem:$0x3FA7] =	sst s0  }
0x9: {  	[smem:$0x3FA8] =	sst s1  }
0xa: {  	[smem:$0x3FA9] =	sst s2  }
0xb: {  	[smem:$0x3FAA] =	sst s3  }
0xc: {  	[smem:$0x3FAB] =	sst s4  }
0xd: {  	[smem:$0x3FAC] =	sst s5  }
0xe: {  	[smem:$0x3FAD] =	sst s6  }
0xf: {  	[smem:$0x3FAE] =	sst s7  }
0x10: {  	[smem:$0x3FAF] =	sst s8  }
0x11: {  	[smem:$0x3FB0] =	sst s9;
	s0 =	simm.s32 @!p0 $0x0  }
0x12: {  	s1 =	sld [smem:$0x3F96];
	s0 =	simm.s32 @p0 $0x1  }
0x13: {  	[smem:$0x3FB1] =	sst s0;
	s0 =	simm.s32 @!p1 $0x0  }
0x14: {  	s2 =	sld [smem:$0x3F95];
	s0 =	simm.s32 @p1 $0x1  }
0x15: {  	[smem:$0x3FB2] =	sst s0;
	s0 =	simm.s32 @!p2 $0x0  }
0x16: {  	s3 =	sld [smem:$0x3FDB];
	s0 =	simm.s32 @p2 $0x1  }
0x17: {  	s4 =	simm.s32 $0x1BF5;
	[smem:$0x3FB4] =	sst s0  }
0x18: {  	s0 =	sld [smem:$0x3F97];
	_ =	swait.ge [sflag:s4], $0x0  }
0x19: {  	s7 =	sld [smem:$0x3F98]  }
0x1a: {  	s8 =	sadd.s32 $0xFFFFE003, lr  }
0x1b: {  	s9 =	sadd.s32 $0xFFFFFEF7, lr;
	s5 =	simm.s32 $0xFFFFFFFF;
	p2 =	slt.u32 s8, $0xFFFFF086  }
0x1c: {  	p1 =	slt.u32 s9, $0xF7A;
	s5 =	simm.s32 @!p2 $0x0  }
0x1d: {  	s5 =	simm.s32 @p1 $0x1;
	p0 =	seq.s32 s7, s2  }
0x1e: {  	s7 =	smul.u32 @!p0 $0xF7A, s2;
	p2 =	seq.s32 @!p0 s5, $0x0  }
0x1f: {  	s9 =	smul.u32 $0xF7A, s1;
	s8 =	simm.s32 @!p0 $0x1BF5;
	p2 =	por !p2, p0  }
0x20: {  	[sflag:s8] =	ssyncset.s32 @!p0 $0xFFFFF086;
	s6 =	sadd.s32 @!p0 s3, s7;
	s7 =	simm.s32 @!p0 $0x108  }
0x21: {  	s3 =	sadd.s32 s3, s9;
	s6 =	sadd.s32 @!p0 $0x88, s6;
	s7 =	simm.s32 @p2 $0x1082  }
0x22: {  	[simem:s7], [sflag:s8] =	dma.local @!p0 [hbm:s6], $0xF7A  }
0x23: {  	s9 =	sor.u32 $0xD0000000, s2;
	s6 =	simm.s32 $0x108;
	_ =	swait.ge @!p0 [sflag:s8], $0x0  }
0x24: {  	s3 =	sadd.s32 $0x88, s3;
	s6 =	simm.s32 @!p1 $0x1082;
	[sflag:s4] =	ssyncset.s32 $0xFFFFF086  }
0x25: {  	[simem:s6], [sflag:s4] =	dma.local [hbm:s3], $0xF7A  }
0x26: {  	[smem:$0x3F98] =	sst s1;
	(tag) =	ssettag s2;
	_ =	strace s9  }
0x27: {  	s1 =	sld [smem:$0x3FA8]  }
0x28: {  	s2 =	sld [smem:$0x3FA9]  }
0x29: {  	s4 =	sld [smem:$0x3FAB]  }
0x2a: {  	p0 =	seq.s32 s5, $0x0;
	s5 =	sld [smem:$0x3FAC]  }
0x2b: {  	s6 =	sld [smem:$0x3FAD]  }
0x2c: {  	s7 =	sld [smem:$0x3FAE]  }
0x2d: {  	s3 =	simm.s32 $0x108;
	s8 =	sld [smem:$0x3FAF]  }
0x2e: {  	s3 =	simm.s32 @!p0 $0x1082;
	s9 =	sld [smem:$0x3FB0]  }
0x2f: {  	lr =	sadd.s32 s0, s3;
	s0 =	sld [smem:$0x3FA7]  }
0x30: {  	s3 =	sld [smem:$0x3FAA]  }
0x31: {  	[smem:$0x3FB3] =	sst s10  }
0x32: {  	s10 =	sld [smem:$0x3FB1];
	_ =	sdelay $0x3  }
0x33: {  	p0 =	seq.s32 s10, $0x1;
	s10 =	sld [smem:$0x3FB3];
	_ =	sdelay $0x3  }
0x34: {  	[smem:$0x3FB3] =	sst s10  }
0x35: {  	s10 =	sld [smem:$0x3FB2];
	_ =	sdelay $0x3  }
0x36: {  	p1 =	seq.s32 s10, $0x1;
	s10 =	sld [smem:$0x3FB3];
	_ =	sdelay $0x3  }
0x37: {  	[smem:$0x3FB3] =	sst s10  }
0x38: {  	s10 =	sld [smem:$0x3FB4]  }
0x39: {  	_ = 	snop;
	(pc) =	sbr.ind lr, $3  }
0x3a: {  	_ = 	snop  }
0x3b: {  	_ = 	snop  }
0x3c: {  	p2 =	seq.s32 s10, $0x1;
	s10 =	sld [smem:$0x3FB3]  }
0x3d: {  	_ =	shalt  }
0x3e: {  	_ =	shalt  }
0x3f: {  	_ =	shalt  }
0x40: {  	_ =	shalt  }
0x41: {  	_ =	shalt  }
0x42: {  	_ =	shalt  }
0x43: {  	_ =	shalt  }
0x44: {  	_ =	shalt  }
0x45: {  	_ =	shalt  }
0x46: {  	_ =	shalt  }
0x47: {  	_ =	shalt  }
0x48: {  	_ =	shalt  }
0x49: {  	_ =	shalt  }
0x4a: {  	_ =	shalt  }
0x4b: {  	_ =	shalt  }
0x4c: {  	_ =	shalt  }
0x4d: {  	_ =	shalt  }
0x4e: {  	_ =	shalt  }
0x4f: {  	_ =	shalt  }
0x50: {  	_ =	shalt  }
0x51: {  	_ =	shalt  }
0x52: {  	_ =	shalt  }
0x53: {  	_ =	shalt  }
0x54: {  	_ =	shalt  }
0x55: {  	_ =	shalt  }
0x56: {  	_ =	shalt  }
0x57: {  	_ =	shalt  }
0x58: {  	_ =	shalt  }
0x59: {  	_ =	shalt  }
0x5a: {  	_ =	shalt  }
0x5b: {  	_ =	shalt  }
0x5c: {  	_ =	shalt  }
0x5d: {  	_ =	shalt  }
0x5e: {  	_ =	shalt  }
0x5f: {  	_ =	shalt  }
0x60: {  	_ =	shalt  }
0x61: {  	_ =	shalt  }
0x62: {  	_ =	shalt  }
0x63: {  	_ =	shalt  }
0x64: {  	_ =	shalt  }
0x65: {  	_ =	shalt  }
0x66: {  	_ =	shalt  }
0x67: {  	_ =	shalt  }
0x68: {  	_ =	shalt  }
0x69: {  	_ =	shalt  }
0x6a: {  	_ =	shalt  }
0x6b: {  	_ =	shalt  }
0x6c: {  	_ =	shalt  }
0x6d: {  	_ =	shalt  }
0x6e: {  	_ =	shalt  }
0x6f: {  	_ =	shalt  }
0x70: {  	_ =	shalt  }
0x71: {  	_ =	shalt  }
0x72: {  	_ =	shalt  }
0x73: {  	_ =	shalt  }
0x74: {  	_ =	shalt  }
0x75: {  	_ =	shalt  }
0x76: {  	_ =	shalt  }
0x77: {  	_ =	shalt  }
0x78: {  	_ =	shalt  }
0x79: {  	_ =	shalt  }
0x7a: {  	_ =	shalt  }
0x7b: {  	_ =	shalt  }
0x7c: {  	_ =	shalt  }
0x7d: {  	_ =	shalt  }
0x7e: {  	_ =	shalt  }
0x7f: {  	_ =	shalt  }
0x80: {  	_ =	shalt  }
0x81: {  	_ =	shalt  }
0x82: {  	_ =	shalt  }
0x83: {  	_ =	shalt  }
0x84: {  	_ =	shalt  }
0x85: {  	_ =	shalt  }
0x86: {  	_ =	shalt  }
0x87: {  	_ =	shalt  }
.Lfunc_end0:
.L_simem_size_0:
called_computation_lowered:
.L_overlay_start_0:
0x88: {  	s2 =	sld [smem:$0x3FD9]  }
0x89: {  	s3 =	sld [smem:$0x3FFE];
	_ =	sdelay $0x1  }
0x8a: {  	s1 =	srdreg.scid  }
0x8b: {  	s0 =	sand.u32 $0x1, s1  }
0x8c: {  	s17 =	sshll.u32 s0, $0xA;
	s2 =	sadd.s32 s3, s2  }
0x8d: {  	s2 =	sadd.s32 s2, s17  }
0x8e: {  	[smem:$0x3FBF] =	sst s2  }
0x8f: {  	_ = 	snop  }
0x90: {  	s2 =	sld [smem:$0x3FC9]  }
0x91: {  	s18 =	sld [smem:$0x3FD0];
	(tm) =	ssettm $0x1  }
0x92: {  	s4 =	sld [smem:$0x3FFB];
	_ =	sdelay $0x3  }
0x93: {  	_ =	strace s4  }
0x94: {  	s4 =	sld [smem:$0x3FFC];
	_ =	sdelay $0x3  }
0x95: {  	_ =	strace s4  }
0x96: {  	s4 =	sld [smem:$0x3FFD];
	_ =	sdelay $0x3  }
0x97: {  	_ =	strace s4  }
0x98: {  	_ =	strace $0x8FFFFFFF  }
0x99: {  	s19 =	sld [smem:$0x3FDB];
	_ =	sdelay $0x1  }
0x9a: {  	s5 =	simm.s32 $_scs_section_size  }
0x9b: {  	s6 =	simm.s32 $_size__tile_overlayer_lowered;
	s7 =	simm.s32 $_tile_overlayer_lowered  }
0x9c: {  	s22 =	simm.s32 $0x1BFF;
	s21 =	sshll.u32 s7, $0x1;
	s4 =	sadd.s32 s5, s19  }
0x9d: {  	s8 =	simm.s32 $0x0;
	s20 =	sshll.u32 s6, $0x1;
	s6 =	sadd.s32 s21, s4  }
0x9e: {  	[timem:s8], [sflag:s22] =	dma.local [hbm:s6], s20  }
0x9f: {  	_ =	swait.ge [sflag:s22], s20  }
0xa0: {  	s5 =	ssub.s32 $0x0, s20;
	[sflag:s22] =	ssyncset.done $0x0  }
0xa1: {  	[sflag:s22] =	ssyncadd.s32 s5;
	_ =	sdelay $0x1  }
0xa2: {  	s23 =	simm.s32 $0x1B8B  }
0xa3: {  	_ =	swait.ge [sflag:s23], $0x1  }
0xa4: {  	[sflag:s23] =	ssyncset.done $0x0  }
0xa5: {  	s25 =	simm.s32 $0x1B8E;
	s24 =	sld [smem:$0x3FFE];
	[sflag:s23] =	ssyncadd.s32 $0xFFFFFFFF  }
0xa6: {  	s26 =	simm.s32 $execute0_lowered;
	[smem:$0x3FD2] =	sst s25  }
0xa7: {  	s6 =	sshll.u32 s26, $0x1;
	_ =	strace $0x80000046;
	[dreg:$0x1] =	wrdreg $0xFFFFFFFF  }
0xa8: {  	s28 =	simm.s32 $_size_execute0_lowered;
	s4 =	sadd.s32 s4, s6;
	[dreg:$0x0] =	wrdreg $0x0  }
0xa9: {  	s6 =	sshll.u32 s28, $0x1;
	[dreg:$0x2] =	wrdreg s4  }
0xaa: {  	[dreg:$0x3] =	wrdreg s6  }
0xab: {  	[dreg:$0x4] =	wrdreg $0xC0  }
0xac: {  	_ =	task [dreg:s8], $0x5FFFF  }
0xad: {  	[dreg:$0x1] =	wrdreg $0xFFFFFFFF  }
0xae: {  	[dreg:$0x0] =	wrdreg $0x60  }
0xaf: {  	[dreg:$0x2] =	wrdreg s2  }
0xb0: {  	[dreg:$0x3] =	wrdreg s18  }
0xb1: {  	[dreg:$0x4] =	wrdreg s24  }
0xb2: {  	[dreg:$0x5] =	wrdreg $0x9  }
0xb3: {  	_ =	task.clear_ibuf [dreg:s8], $0x6FFFF;
	_ =	strace $0x90000046  }
0xb4: {  	s29 =	simm.s32 $0x9;
	_ =	strace $0x80000048  }
0xb5: {  	_ =	swait.ge [sflag:s29], $0x1  }
0xb6: {  	[sflag:s29] =	ssyncadd.s32 $0xFFFFFFFF  }
0xb7: {  	_ =	strace $0x90000048  }
0xb8: {  	_ =	sfence  }
0xb9: {  	s30 =	sld [smem:$0x0];
	_ =	sdelay $0x2  }
0xba: {  	s31 =	sshll.u32 s1, $0xD;
	s1 =	sshrl.u32 s1, $0x2  }
0xbb: {  	s3 =	sand.u32 $0x4000, s31;
	s1 =	sadd.s32 s1, s30  }
0xbc: {  	s0 =	sor.u32 s3, s0;
	s1 =	sshll.u32 s1, $0x11  }
0xbd: {  	s0 =	sor.u32 s1, s0  }
0xbe: {  	s0 =	sadd.s32 $0x8F2B, s0  }
0xbf: {  	[sflag:s0] =	ssyncadd.remote.s32 $0x1  }
0xc0: {  	_ =	sfence.sel $0xFFFF  }
0xc1: {  	[dreg:$0x0] =	wrdreg $0xFFFFFFFF;
	(pc) =	sbr.abs _section_cstart, $3  }
0xc2: {  	[dreg:$0x1] =	wrdreg $0xFFFFFFFF  }
0xc3: {  	_ =	task.clear_ibuf [dreg:s8], $0x2FFFF;
	_ =	strace $0x9FFFFFFF  }
0xc4: {  	(tm) =	ssettm $0x7FFFFFFF  }
0xc5: {  	_ =	shalt  }
tec
execute0_lowered:
.L_overlay_start_1:
0x0: {  	(tag) =	ssettag $0x1  }
0x1: {  	s1 =	rddreg [dreg:$0x0]  }
0x2: {  	s5 =	rddreg [dreg:$0x1]  }
0x3: {  	s6 =	rddreg [dreg:$0x2]  }
0x4: {  	s0 =	rddreg [dreg:$0x3]  }
0x5: {  	s4 =	srdreg.scid;
	s2 =	stileid.u32  }
0x6: {  	s3 =	simm.s32 $0x0;
	s12 =	simm.s32 $0x8100;
	s13 =	simm.s32 $0x1  }
0x7: {  	s14 =	simm.s32 $0x2;
	s15 =	simm.s32 $0x10100;
	s16 =	simm.s32 $0x0  }
0x8: {  	s4 =	sand.u32 $0x1, s4;
	s7 =	sshll.u32 s2, $0x1;
	[smem:$0x7FF] =	sst s3  }
0x9: {  	s7 =	sor.u32 s4, s7;
	s8 =	ssub.s32 $0x2, s4;
	_ =	strace $0x80000047  }
0xa: {  	s4 =	sadd.s32 $0x2400, s6;
	s9 =	sshll.u32 s7, $0x4;
	s10 =	sshrl.u32 s8, $0x1  }
0xb: {  	s11 =	sadd.s32 s9, s6;
	s8 =	ssub.s32 s8, s10;
	s5 =	sadd.s32 s5, s9  }
0xc: {  	s6 =	sshll.u32 s7, $0x11;
	s9 =	simm.s32 $0x80;
	s10 =	simm.s32 $0x3  }
0xd: {  	v6 =	vimm.s32 $0x0;
	s7 =	sadd.s32 $0x2600, s11;
	s8 =	smax.u32 s8, $0x1;
	s11 =	simm.s32 $0x100  }
.LBB2_1:
0xe: {  	[tilespmem:s9], [sflag:$0x3] =	stream.linear.gather [hbm4b:s4+s3], $0x80, $0x38;
	[tilespmem:$0x10180] =	vst v63  }
0xf: {  	_ =	swait.ge [sflag:s10], $0x80  }
0x10: {  	[sflag:s10] =	ssyncset.done $0x0  }
0x11: {  	[sflag:s10] =	ssyncadd.s32 $0xFFFFFF80  }
0x12: {  	[tilespmem:s3], [sflag:$0x3] =	stream.linear.gather [hbm4b:s5+s3], $0x80, $0x38;
	[tilespmem:$0x10180] =	vst v63  }
0x13: {  	_ =	swait.ge [sflag:s10], $0x80  }
0x14: {  	[sflag:s10] =	ssyncset.done $0x0  }
0x15: {  	[sflag:s10] =	ssyncadd.s32 $0xFFFFFF80  }
0x16: {  	v7 =	vld [tilespmem:$0x80];
	_ =	sdelay $0x4  }
0x17: {  	(v2sf) =	vpush v7, $0x1;
	_ =	sdelay $0xe  }
0x18: {  	s17 =	spop (v2sf)  }
0x19: {  	s18 =	sshll.u32 s17, $0x7  }
0x1a: {  	s19 =	sand.u32 $0x7FFFFC00, s18  }
0x1b: {  	s19 =	sadd.s32 s6, s19  }
0x1c: {  	s19 =	sshrl.u32 s19, $0x3  }
0x1d: {  	s19 =	sadd.s32 s1, s19  }
0x1e: {  	[tilespmem:s11], [sflag:$0x1] =	stream.linear.gather [hbm4b:s19+s3], $0x8000, $0x38;
	[tilespmem:$0x10180] =	vst v63  }
0x1f: {  	v8 =	vld [tilespmem:$0x0]  }
0x20: {  	s24 =	sadd.s32 $0x8000, s18;
	v9 =	vld [tilespmem:$0x10]  }
0x21: {  	s19 =	sand.u32 $0x7FFFFC00, s24;
	v10 =	vld [tilespmem:$0x20]  }
0x22: {  	s18 =	sand.u32 $0x380, s18;
	v11 =	vld [tilespmem:$0x30];
	s19 =	sadd.s32 s6, s19  }
0x23: {  	v12 =	vld [tilespmem:$0x40];
	s18 =	sor.u32 s18, s19  }
0x24: {  	v13 =	vld [tilespmem:$0x50];
	s18 =	sshrl.u32 s18, $0x3  }
0x25: {  	v14 =	vld [tilespmem:$0x60];
	s18 =	sadd.s32 s1, s18  }
0x26: {  	v15 =	vld [tilespmem:$0x70];
	[tilespmem:s12], [sflag:$0x2] =	stream.linear.gather [hbm4b:s18+s3], $0x8000, $0x38  }
0x27: {  	_ =	swait.ge [sflag:s13], $0x8000  }
0x28: {  	[sflag:s13] =	ssyncset.done $0x0  }
0x29: {  	s25 =	simm.s32 $0x180;
	[sflag:s13] =	ssyncadd.s32 $0xFFFF8000  }
0x2a: {  	v48 =	vld [tilespmem:s25+$0x10]  }
0x2b: {  	v51 =	vld [tilespmem:s25+$0x0]  }
0x2c: {  	v27 =	vld [tilespmem:s25+$0xFFFFFF90]  }
0x2d: {  	v53 =	vld [tilespmem:s25+$0x20]  }
0x2e: {  	v16 =	vld [tilespmem:s25+$0xFFFFFF80]  }
0x2f: {  	v52 =	vld [tilespmem:s25+$0x30]  }
0x30: {  	v30 =	vld [tilespmem:s25+$0xFFFFFFA0]  }
0x31: {  	v31 =	vld [tilespmem:s25+$0x40];
	v0 =	vmul.f32 v48, v9;
	v1 =	vmul.f32 v51, v8  }
0x32: {  	v22 =	vld [tilespmem:s25+$0xFFFFFFB0];
	v2 =	vmul.f32 v53, v10  }
0x33: {  	v34 =	vld [tilespmem:s25+$0x50];
	v4 =	vmul.f32 v16, v8;
	v0 =	vadd.f32 v0, v1;
	v1 =	vmul.f32 v27, v9  }
0x34: {  	v36 =	vld [tilespmem:s25+$0xFFFFFFC0];
	v3 =	vmul.f32 v52, v11  }
0x35: {  	v54 =	vld [tilespmem:s25+$0x60];
	v5 =	vmul.f32 v30, v10;
	v0 =	vadd.f32 v2, v0;
	v1 =	vadd.f32 v1, v4  }
0x36: {  	v39 =	vld [tilespmem:s25+$0xFFFFFFD0];
	v2 =	vmul.f32 v31, v12  }
0x37: {  	v55 =	vld [tilespmem:s25+$0x70];
	v0 =	vadd.f32 v3, v0;
	v3 =	vmul.f32 v22, v11;
	v1 =	vadd.f32 v5, v1  }
0x38: {  	v35 =	vld [tilespmem:s25+$0xFFFFFFE0];
	v4 =	vmul.f32 v34, v13  }
0x39: {  	v5 =	vmul.f32 v36, v12;
	v0 =	vadd.f32 v2, v0;
	v1 =	vadd.f32 v3, v1  }
0x3a: {  	v44 =	vld [tilespmem:s25+$0xFFFFFFF0];
	v2 =	vmul.f32 v54, v14  }
0x3b: {  	v0 =	vadd.f32 v4, v0;
	v4 =	vmul.f32 v39, v13;
	v1 =	vadd.f32 v5, v1  }
0x3c: {  	v3 =	vmul.f32 v55, v15  }
0x3d: {  	s26 =	simm.s32 $0x280;
	v0 =	vadd.f32 v2, v0;
	v2 =	vmul.f32 v35, v14;
	v1 =	vadd.f32 v4, v1  }
0x3e: {  	v18 =	vld [tilespmem:s26+$0x50]  }
0x3f: {  	v28 =	vld [tilespmem:s26+$0x30];
	v0 =	vadd.f32 v3, v0;
	v3 =	vmul.f32 v44, v15;
	v1 =	vadd.f32 v2, v1  }
0x40: {  	v23 =	vld [tilespmem:s26+$0x20]  }
0x41: {  	v25 =	vld [tilespmem:s26+$0x0];
	(xrf2) =	vadd.scan.msk.f32 $0xffff, v0;
	v0 =	vadd.f32 v3, v1  }
0x42: {  	v40 =	vld [tilespmem:s26+$0xFFFFFF80]  }
0x43: {  	v33 =	vld [tilespmem:s26+$0xFFFFFFB0];
	(xrf2) =	vadd.scan.msk.f32 $0xffff, v0  }
0x44: {  	v43 =	vld [tilespmem:s26+$0xFFFFFFA0]  }
0x45: {  	v5 =	vld [tilespmem:s26+$0x10]  }
0x46: {  	v17 =	vld [tilespmem:s26+$0xFFFFFF90];
	v19 =	vmul.f32 v25, v8  }
0x47: {  	v20 =	vmul.f32 v23, v10;
	v21 =	vmul.f32 v40, v8  }
0x48: {  	s28 =	sadd.s32 $0x0, s17;
	v45 =	vld [tilespmem:s26+$0x40];
	v29 =	vmul.f32 v33, v11;
	v37 =	vmul.f32 v28, v11  }
0x49: {  	s20 =	sadd.s32 $0x1, s28;
	v26 =	vmul.f32 v43, v10;
	v38 =	vmul.f32 v18, v13;
	v0 =	vmov s28  }
0x4a: {  	[tilespmem:$0x1FEA0] =	vst v5;
	v5 =	vmul.f32 v5, v9;
	v1 =	vmov s20;
	vm0 =	vlt.s32 v0, v7  }
0x4b: {  	v3 =	vmul.f32 v17, v9;
	vm1 =	vlt.s32 v1, v7;
	v0 =	vsel vm0, $0x1, v6  }
0x4c: {  	v41 =	vld [tilespmem:s26+$0xFFFFFFC0];
	v5 =	vadd.f32 v5, v19;
	v1 =	vsel vm1, $0x1, v6;
	v0 =	vbroadcast v0, $0x0;
	v2, _, _ =	vpop (xrf2)  }
0x4d: {  	v3 =	vadd.f32 v3, v21;
	v21 =	vmul.f32 v45, v12;
	v1 =	vbroadcast v1, $0x0;
	v24, _, _ =	vpop (xrf2)  }
0x4e: {  	v32 =	vld [tilespmem:s26+$0xFFFFFFD0];
	v0 =	vand.u32 $0x1, v0;
	v2 =	vmul.f32 $8.838834610e-02, v2;
	v24 =	vmul.f32 $8.838834610e-02, v24  }
0x4f: {  	v5 =	vadd.f32 v20, v5;
	v1 =	vand.u32 $0x1, v1;
	vm8 =	veq.s32 v0, $0x1  }
0x50: {  	v19 =	vld [tilespmem:s26+$0x60];
	v0 =	vadd.f32 v26, v3;
	v2 =	vbroadcast v2, $0xF;
	v20 =	vbroadcast v24, $0xF  }
0x51: {  	vm9 =	veq.s32 v1, $0x1;
	v1 =	vmul.f32 v41, v12;
	v3 =	vadd.f32 v37, v5;
	v24 =	vld [tilespmem:s26+$0xFFFFFFE0]  }
0x52: {  	v26 =	vld [tilespmem:s26+$0x70];
	v0 =	vadd.f32 v29, v0;
	v2 =	vnsel vm9, $0xF149F2CA, v2;
	v5 =	vnsel vm8, $0xF149F2CA, v20  }
0x53: {  	v42 =	vld [tilespmem:s26+$0xFFFFFFF0];
	v4 =	vimm.f32 $-1.000000020e+30;
	v29 =	vmovc v32;
	v3 =	vadd.f32 v21, v3;
	v20 =	vmax.f32 v5, v2  }
0x54: {  	v21 =	vmul.f32 v29, v13;
	v0 =	vadd.f32 v1, v0;
	v37 =	vmax.f32 v4, v20  }
0x55: {  	v1 =	vmul.f32 v19, v14;
	v3 =	vadd.f32 v38, v3;
	v4 =	vsub.f32 v4, v37  }
0x56: {  	v0 =	vadd.f32 v21, v0;
	v20 =	vmul.f32 v24, v14;
	v5 =	vsub.f32 v5, v37  }
0x57: {  	v21 =	vmul.f32 v26, v15;
	v1 =	vadd.f32 v1, v3;
	v4 =	vmul.f32 $1.442695020e+00, v4  }
0x58: {  	v3 =	vmul.f32 v42, v15;
	v0 =	vadd.f32 v20, v0;
	v5 =	vmul.f32 $1.442695020e+00, v5  }
0x59: {  	v1 =	vadd.f32 v21, v1;
	(erf) = vpow2.f32 v4  }
0x5a: {  	v2 =	vsub.f32 v2, v37;
	v0 =	vadd.f32 v3, v0;
	(erf) = vpow2.f32 v5  }
0x5b: {  	s30 =	simm.s32 $0x380;
	(xrf2) =	vadd.scan.msk.f32 $0xffff, v1  }
0x5c: {  	[tilespmem:$0x1FEB0] =	vst v41;
	v41 =	vld [tilespmem:s30+$0x0];
	(xrf2) =	vadd.scan.msk.f32 $0xffff, v0;
	v0 =	vmul.f32 $1.442695020e+00, v2  }
0x5d: {  	s29 =	sadd.s32 $0x2, s17  }
0x5e: {  	s19 =	sadd.s32 $0x1, s29;
	v4 =	vld [tilespmem:s30+$0xFFFFFF90];
	(erf) = vpow2.f32 v0;
	v0 =	vmov s29  }
0x5f: {  	vm10 =	vlt.s32 v0, v7;
	v0 =	vmov s19  }
0x60: {  	vm11 =	vlt.s32 v0, v7;
	v0 =	vimm.f32 $0.0e+00  }
0x61: {  	s31 =	sadd.s32 $0x4, s17;
	v60 =	vmul.f32 v41, v8;
	v1 =	vsel vm10, $0x1, v6;
	v2 =	vsel vm11, $0x1, v6  }
0x62: {  	v46 =	vmov s31;
	[tilespmem:$0x1FEC0] =	vst v19;
	v19 =	vld [tilespmem:s30+$0x20];
	v1 =	vbroadcast v1, $0x0;
	v2 =	vbroadcast v2, $0x0;
	v3 =	vpop (erf)  }
0x63: {  	vm12 =	vlt.s32 v46, v7;
	s19 =	sadd.s32 $0x1, s31;
	v5 =	vmul.f32 v3, v0;
	v0 =	vpop (erf);
	v3 =	vmul.f32 v4, v9  }
0x64: {  	v58 =	vmov s19;
	v21 =	vmul.f32 v0, v30;
	v32 =	vmul.f32 v0, v16  }
0x65: {  	[tilespmem:$0x1FEE0] =	vst v4;
	vm15 =	vlt.s32 v58, v7;
	v4, _, _ =	vpop (xrf2);
	v16 =	vld [tilespmem:s30+$0x10];
	v20 =	vmul.f32 v0, v22;
	v22 =	vmul.f32 v0, v36  }
0x66: {  	v38 =	vld [tilespmem:s30+$0xFFFFFFD0];
	v1 =	vand.u32 $0x1, v1;
	v49 =	vmul.f32 v0, v27;
	v4 =	vmul.f32 $8.838834610e-02, v4;
	v30, _, _ =	vpop (xrf2)  }
0x67: {  	v27 =	vmov v19;
	v61 =	vmul.f32 v0, v39;
	v47 =	vmul.f32 $8.838834610e-02, v30;
	v59 =	vpop (erf);
	v30 =	vld [tilespmem:s30+$0xFFFFFF80]  }
0x68: {  	vm13 =	veq.s32 v1, $0x1;
	v62 =	vmul.f32 v27, v10;
	v19 =	vmul.f32 v59, v31;
	v31 =	vld [tilespmem:s30+$0xFFFFFFA0]  }
0x69: {  	v2 =	vand.u32 $0x1, v2;
	[tilespmem:$0x1FEF0] =	vst v22;
	v1 =	vbroadcast v4, $0xF;
	v22 =	vld [tilespmem:s30+$0xFFFFFFB0];
	v36 =	vbroadcast v47, $0xF  }
0x6a: {  	vm14 =	veq.s32 v2, $0x1;
	v50 =	vmul.f32 v59, v34;
	[tilespmem:$0x1FF00] =	vst v19;
	v19 =	vld [tilespmem:s30+$0x30];
	v2 =	vmul.f32 v16, v9  }
0x6b: {  	v34 =	vld [tilespmem:s30+$0xFFFFFFC0];
	v58 =	vmul.f32 v59, v53;
	v1 =	vnsel vm14, $0xF149F2CA, v1;
	v4 =	vnsel vm13, $0xF149F2CA, v36  }
0x6c: {  	[tilespmem:$0x1FED0] =	vst v42;
	v42 =	vmul.f32 v30, v8;
	v2 =	vadd.f32 v2, v60;
	v60 =	vmul.f32 v0, v35  }
0x6d: {  	[tilespmem:$0x1FF30] =	vst v7;
	v7 =	vld [tilespmem:s30+$0x40];
	v63 =	vmax.f32 v4, v1;
	v35 =	vmul.f32 v38, v13;
	v56 =	vmul.f32 v31, v10  }
0x6e: {  	[tilespmem:$0x1FF50] =	vst v10;
	v47 =	vmax.f32 v37, v63;
	v10 =	vmul.f32 v22, v11;
	v3 =	vadd.f32 v3, v42  }
0x6f: {  	[tilespmem:$0x1FF10] =	vst v9;
	v9 =	vld [tilespmem:s30+$0x50];
	v2 =	vadd.f32 v62, v2;
	v37 =	vsub.f32 v37, v47;
	v46 =	vmul.f32 v19, v11  }
0x70: {  	[tilespmem:$0x1FFB0] =	vst v34;
	v34 =	vmul.f32 v34, v12;
	v63 =	vmul.f32 v0, v44;
	v4 =	vsub.f32 v4, v47  }
0x71: {  	v3 =	vadd.f32 v56, v3;
	v37 =	vmul.f32 $1.442695020e+00, v37;
	v2 =	vadd.f32 v46, v2;
	v46 =	vld [tilespmem:s30+$0x60]  }
0x72: {  	[tilespmem:$0x1FF70] =	vst v11;
	v36 =	vld [tilespmem:s30+$0x70];
	v11 =	vmul.f32 v7, v12;
	v4 =	vmul.f32 $1.442695020e+00, v4  }
0x73: {  	v42 =	vld [tilespmem:s30+$0xFFFFFFE0];
	v1 =	vsub.f32 v1, v47;
	v3 =	vadd.f32 v10, v3;
	(erf) = vpow2.f32 v37  }
0x74: {  	v2 =	vadd.f32 v11, v2;
	(erf) = vpow2.f32 v4;
	v4 =	vmul.f32 v9, v13  }
0x75: {  	[tilespmem:$0x1FF40] =	vst v8;
	v1 =	vmul.f32 $1.442695020e+00, v1;
	v56 =	vmul.f32 v59, v51  }
0x76: {  	[tilespmem:$0x1FFA0] =	vst v12;
	v3 =	vadd.f32 v34, v3;
	v2 =	vadd.f32 v4, v2;
	v57 =	vmul.f32 v46, v14  }
0x77: {  	[tilespmem:$0x1FFD0] =	vst v13;
	v44 =	vld [tilespmem:s30+$0xFFFFFFF0];
	v0 =	vadd.f32 v59, v0;
	v39 =	vmul.f32 v36, v15;
	(erf) = vpow2.f32 v1  }
0x78: {  	[tilespmem:$0x1FFE0] =	vst v14;
	v62 =	vadd.f32 v35, v3;
	v1 =	vadd.f32 v57, v2;
	v2 =	vmul.f32 v42, v14  }
0x79: {  	[tilespmem:$0x1FFF0] =	vst v15;
	v37 =	vsel vm12, $0x1, v6;
	v4 =	vmul.f32 v59, v54;
	v3 =	vmul.f32 v59, v55  }
0x7a: {  	[tilespmem:$0x1FF90] =	vst v7;
	v55 =	vmul.f32 v59, v48;
	v57 =	vmul.f32 v59, v52;
	v2 =	vadd.f32 v2, v62  }
0x7b: {  	[tilespmem:$0x1FF20] =	vst v16;
	v59 =	vbroadcast v37, $0x0;
	v62 =	vadd.f32 v0, v5;
	v0 =	vadd.f32 v39, v1  }
0x7c: {  	[tilespmem:$0x1FF80] =	vst v22;
	v1 =	vmul.f32 v44, v15  }
0x7d: {  	v53 =	vsel vm15, $0x1, v6;
	[tilespmem:$0x1FF60] =	vst v19;
	v51 =	vmov v47;
	v54 =	vadd.f32 v60, v5  }
0x7e: {  	v60 =	vadd.f32 v63, v5;
	v52 =	vand.u32 $0x1, v59;
	v48 =	vpop (erf);
	(xrf2) =	vadd.scan.msk.f32 $0xffff, v0;
	v63 =	vadd.f32 v1, v2  }
0x7f: {  	s18 =	simm.s32 $0x6;
	s19 =	simm.s32 $0x480;
	[tilespmem:$0x1FFC0] =	vst v9;
	v1 =	vadd.f32 v61, v5;
	v61 =	vmovc v5;
	v59 =	vmovc v5;
	v2 =	vmov v5;
	v0 =	vmov v5  }
.LBB2_2:
0x80: {  	_ = 	snop  }
0x81: {  	v7 =	vpop (erf);
	v8 =	vadd.f32 v49, v5  }
0x82: {  	v5 =	vld [tilespmem:$0x1FEF0];
	v1 =	vadd.f32 v1, v50;
	v50 =	vadd.f32 v21, v0;
	v0 =	vmul.f32 v7, v40;
	_ =	sdelay $0x1  }
0x83: {  	[tilespmem:$0x1FE80] =	vst v0;
	v0 =	vld [tilespmem:$0x1FF00];
	_ =	sdelay $0x2  }
0x84: {  	v4 =	vadd.f32 v54, v4;
	v54 =	vmovc v36;
	v36 =	vmov v46;
	v46 =	vadd.f32 v5, v61;
	_ =	sdelay $0x1  }
0x85: {  	v40 =	vadd.f32 v46, v0;
	v0 =	vmov v30  }
0x86: {  	[tilespmem:$0x1FE70] =	vst v0;
	v0 =	vld [tilespmem:$0x1FEB0];
	_ =	sdelay $0x4  }
0x87: {  	v0 =	vmul.f32 v7, v0;
	_ =	sdelay $0x1  }
0x88: {  	[tilespmem:$0x1FEF0] =	vst v0;
	v0 =	vld [tilespmem:$0x1FF80]  }
0x89: {  	v11 =	vld [tilespmem:$0x1FF30];
	_ =	sdelay $0x2  }
0x8a: {  	s20 =	sadd.s32 s18, s17;
	(xrf2) =	vadd.scan.msk.f32 $0xffff, v63  }
0x8b: {  	v3 =	vadd.f32 v60, v3;
	[tilespmem:$0x1FE30] =	vst v4;
	v4 =	vmov s20;
	v61 =	vpop (erf);
	v0 =	vmov v0  }
0x8c: {  	vm0 =	vlt.s32 v4, v11;
	v4 =	vld [tilespmem:s19+$0x40];
	[tilespmem:$0x1FE60] =	vst v0;
	v0 =	vmul.f32 v61, v45  }
0x8d: {  	v6 =	vld [tilespmem:s19+$0xFFFFFF90];
	v12 =	vimm.s32 $0x0;
	[tilespmem:$0x1FE40] =	vst v3  }
0x8e: {  	v9 =	vld [tilespmem:s19+$0x50];
	v3 =	vsel vm0, $0x1, v12;
	[tilespmem:$0x1FF00] =	vst v0;
	v0 =	vmul.f32 v7, v29  }
0x8f: {  	v19 =	vld [tilespmem:$0x1FF70];
	[tilespmem:$0x1FE50] =	vst v1;
	v1 =	vbroadcast v3, $0x0  }
0x90: {  	s20 =	sadd.s32 $0x1, s20;
	[tilespmem:$0x1FE90] =	vst v0;
	v0 =	vld [tilespmem:$0x1FFC0]  }
0x91: {  	v39 =	vmul.f32 v7, v43;
	v49 =	vmul.f32 v7, v17;
	v17 =	vld [tilespmem:$0x1FEE0];
	v5 =	vmov s20;
	v43 =	vmovc v4  }
0x92: {  	vm14 =	vlt.s32 v5, v11;
	v11 =	vld [tilespmem:s19+$0xFFFFFFB0]  }
0x93: {  	v3 =	vadd.f32 v32, v2;
	v32 =	vld [tilespmem:$0x1FF90];
	v13 =	vand.u32 $0x1, v1;
	v1, _, _ =	vpop (xrf2)  }
0x94: {  	v37 =	vmov v25;
	[tilespmem:$0x1FF90] =	vst v43;
	v25, _, _ =	vpop (xrf2);
	v43 =	vmov v41;
	v41 =	vmov v27;
	v27 =	vld [tilespmem:$0x1FFD0]  }
0x95: {  	v5 =	vmul.f32 v7, v33;
	v33 =	vmovc v0;
	v0 =	vmov v26;
	v26 =	vmul.f32 $8.838834610e-02, v25;
	v25 =	vld [tilespmem:$0x1FFA0];
	_ =	sdelay $0x1  }
0x96: {  	v46 =	vadd.f32 v20, v59;
	v59 =	vadd.f32 v50, v58;
	v50 =	vmul.f32 v61, v18  }
0x97: {  	v35 =	vmovc v23;
	v23 =	vld [tilespmem:$0x1FF10];
	v18 =	vmul.f32 v7, v24;
	v58 =	vmul.f32 $8.838834610e-02, v1;
	v1 =	vmovc v17;
	v17 =	vmov v6  }
0x98: {  	v21 =	vld [tilespmem:$0x1FED0];
	v24 =	vmov v9;
	[tilespmem:$0x1FEE0] =	vst v17;
	v17 =	vadd.f32 v3, v56;
	v3 =	vmul.f32 v11, v19  }
0x99: {  	[tilespmem:$0x1FFC0] =	vst v24;
	v20 =	vmul.f32 v4, v25;
	v4 =	vmov v11;
	v11 =	vmul.f32 v24, v27;
	v24 =	vld [tilespmem:$0x1FFB0]  }
0x9a: {  	v14 =	vld [tilespmem:s19+$0x10]  }
0x9b: {  	v15 =	vld [tilespmem:s19+$0x0]  }
0x9c: {  	v22 =	vld [tilespmem:$0x1FF50]  }
0x9d: {  	v8 =	vadd.f32 v8, v55;
	v55 =	vld [tilespmem:s19+$0xFFFFFFE0]  }
0x9e: {  	v2 =	vld [tilespmem:s19+$0x20];
	v29 =	vadd.f32 v61, v7;
	v7 =	vmul.f32 v7, v21;
	v21 =	vmovc v24;
	v24 =	vmov v44  }
0x9f: {  	v10 =	vbroadcast v53, $0x0;
	[tilespmem:$0x1FED0] =	vst v24;
	v24 =	vld [tilespmem:$0x1FF40]  }
0xa0: {  	v30 =	vld [tilespmem:s19+$0xFFFFFF80]  }
0xa1: {  	vm15 =	veq.s32 v52, $0x1;
	v10 =	vand.u32 $0x1, v10;
	v16 =	vadd.f32 v46, v57;
	v46 =	vld [tilespmem:s19+$0xFFFFFFC0]  }
0xa2: {  	v34 =	vld [tilespmem:s19+$0xFFFFFFA0];
	v53 =	vsel vm14, $0x1, v12;
	v12 =	vmul.f32 v6, v23;
	v52 =	vmovc v13;
	v13 =	vbroadcast v58, $0xF  }
0xa3: {  	v63 =	vld [tilespmem:s19+$0x30];
	vm1 =	veq.s32 v10, $0x1;
	v23 =	vmul.f32 v14, v23;
	[tilespmem:$0x1FF80] =	vst v4;
	v4 =	vbroadcast v26, $0xF  }
0xa4: {  	v57 =	vmul.f32 v2, v22;
	v13 =	vnsel vm1, $0xF149F2CA, v13;
	v58 =	vmul.f32 v15, v24  }
0xa5: {  	v45 =	vmovc v32;
	v32 =	vmovc v42;
	v42 =	vmov v55;
	v4 =	vnsel vm15, $0xF149F2CA, v4;
	v44 =	vmul.f32 v30, v24  }
0xa6: {  	[tilespmem:$0x1FFB0] =	vst v46;
	v55 =	vmul.f32 v46, v25;
	v46 =	vmax.f32 v4, v13;
	v23 =	vadd.f32 v23, v58  }
0xa7: {  	v22 =	vmul.f32 v34, v22;
	v47 =	vmax.f32 v47, v46;
	v12 =	vadd.f32 v12, v44  }
0xa8: {  	v19 =	vmul.f32 v63, v19;
	v46 =	vsub.f32 v51, v47;
	v23 =	vadd.f32 v57, v23  }
0xa9: {  	v62 =	vmul.f32 v48, v62;
	v6 =	vld [tilespmem:s19+$0xFFFFFFD0];
	v12 =	vadd.f32 v22, v12;
	v22 =	vsub.f32 v4, v47  }
0xaa: {  	v56 =	vld [tilespmem:s19+$0x70];
	v13 =	vsub.f32 v13, v47;
	v19 =	vadd.f32 v19, v23;
	v23 =	vmul.f32 $1.442695020e+00, v46  }
0xab: {  	v62 =	vadd.f32 v29, v62;
	v29 =	vmov v28;
	v28 =	vld [tilespmem:$0x1FFF0];
	v58 =	vmul.f32 $1.442695020e+00, v22  }
0xac: {  	[tilespmem:$0x1FEB0] =	vst v21;
	v21 =	vld [tilespmem:s19+$0xFFFFFFF0];
	v13 =	vmul.f32 $1.442695020e+00, v13;
	(erf) = vpow2.f32 v23  }
0xad: {  	v57 =	vadd.f32 v3, v12;
	v3 =	vmul.f32 v61, v0;
	v0 =	vld [tilespmem:$0x1FF60];
	(erf) = vpow2.f32 v58  }
0xae: {  	(erf) = vpow2.f32 v13;
	v13 =	vld [tilespmem:$0x1FF20];
	_ =	sdelay $0x3  }
0xaf: {  	v60 =	vmov v31;
	v31 =	vmov v38  }
0xb0: {  	v38 =	vmovc v6;
	v6 =	vmul.f32 v56, v28;
	v24 =	vmul.f32 v21, v28;
	v12 =	vld [tilespmem:$0x1FEA0];
	v28 =	vmovc v0;
	v0 =	vmov v13  }
0xb1: {  	[tilespmem:$0x1FEA0] =	vst v0;
	v0 =	vld [tilespmem:$0x1FE30];
	_ =	sdelay $0x1  }
0xb2: {  	v9 =	vld [tilespmem:s19+$0x60]  }
0xb3: {  	v26 =	vld [tilespmem:$0x1FFE0]  }
0xb4: {  	v44 =	vmovc v21;
	v21 =	vmul.f32 v38, v27;
	v27 =	vmov v2;
	v2 =	vmov v14  }
0xb5: {  	[tilespmem:$0x1FF20] =	vst v2;
	v2 =	vmul.f32 v48, v0;
	v0 =	vld [tilespmem:$0x1FE40]  }
0xb6: {  	v4 =	vld [tilespmem:$0x1FEC0];
	_ =	sdelay $0x1  }
0xb7: {  	v25 =	vmovc v36;
	v36 =	vmovc v56;
	v56 =	vmul.f32 v61, v37;
	v10 =	vmul.f32 v9, v26;
	v51 =	vmov v47  }
0xb8: {  	[tilespmem:$0x1FEC0] =	vst v25;
	v25 =	vmul.f32 v42, v26;
	v26 =	vmovc v54;
	v46 =	vmov v9;
	v19 =	vadd.f32 v20, v19  }
0xb9: {  	v20 =	vmovc v5;
	v9 =	vadd.f32 v55, v57;
	v57 =	vmul.f32 v61, v29;
	v14 =	vmul.f32 v48, v0;
	v0 =	vld [tilespmem:$0x1FE50]  }
0xba: {  	v29 =	vmovc v31;
	v31 =	vmovc v34;
	v5 =	vmov v63;
	v4 =	vmul.f32 v61, v4;
	v11 =	vadd.f32 v11, v19  }
0xbb: {  	p0 =	sne.s32 s18, $0xFE;
	v9 =	vadd.f32 v21, v9;
	v54 =	vadd.f32 v18, v2;
	v2 =	vmul.f32 v48, v17;
	v17 =	vmovc v1;
	v1 =	vld [tilespmem:$0x1FE90]  }
.Ltmp0:
0xbc: {  	v58 =	vmul.f32 v61, v35;
	[tilespmem:$0x1FF60] =	vst v5;
	v5 =	vmul.f32 v48, v8;
	v10 =	vadd.f32 v10, v11;
	(pc) =	sbr.rel @p0 .LBB2_2-.Ltmp0, $4  }
0xbd: {  	v21 =	vmovc v39;
	v23 =	vmovc v41;
	v41 =	vmov v15;
	v55 =	vmul.f32 v61, v12;
	v9 =	vadd.f32 v25, v9  }
0xbe: {  	v61 =	vmul.f32 v48, v40;
	v40 =	vld [tilespmem:$0x1FE70];
	v25 =	vmovc v43;
	v6 =	vadd.f32 v6, v10;
	v37 =	vmul.f32 v48, v0  }
0xbf: {  	v43 =	vmovc v60;
	v63 =	vadd.f32 v24, v9;
	v24 =	vmovc v32;
	v32 =	vld [tilespmem:$0x1FE80];
	v18 =	vmov v33;
	v60 =	vadd.f32 v7, v14  }
0xc0: {  	s18 =	sadd.s32 $0x2, s18;
	s19 =	sadd.s32 $0x100, s19;
	(xrf2) =	vadd.scan.msk.f32 $0xffff, v6;
	v33 =	vld [tilespmem:$0x1FE60];
	v0 =	vmul.f32 v48, v59;
	v59 =	vmul.f32 v48, v16;
	v48 =	vpop (erf);
	v1 =	vadd.f32 v1, v37  }
0xc1: {  	(xrf2) =	vadd.scan.msk.f32 $0xffff, v63;
	_ =	sdelay $0x8  }
0xc2: {  	v6, _, _ =	vpop (xrf2)  }
0xc3: {  	v7 =	vbroadcast v53, $0x0;
	v8, _, _ =	vpop (xrf2)  }
0xc4: {  	v6 =	vmul.f32 $8.838834610e-02, v6;
	v8 =	vmul.f32 $8.838834610e-02, v8;
	_ =	sdelay $0x1  }
0xc5: {  	v7 =	vand.u32 $0x1, v7;
	v6 =	vbroadcast v6, $0xF;
	v8 =	vbroadcast v8, $0xF  }
0xc6: {  	vm0 =	veq.s32 v52, $0x1;
	vm1 =	veq.s32 v7, $0x1  }
0xc7: {  	v6 =	vnsel vm1, $0xF149F2CA, v6;
	v7 =	vnsel vm0, $0xF149F2CA, v8  }
0xc8: {  	v8 =	vmax.f32 v7, v6  }
0xc9: {  	v4 =	vadd.f32 v54, v4;
	v54 =	vmax.f32 v47, v8  }
0xca: {  	v11 =	vsub.f32 v51, v54;
	v7 =	vsub.f32 v7, v54;
	_ =	sdelay $0x1  }
0xcb: {  	v6 =	vsub.f32 v6, v54;
	v11 =	vmul.f32 $1.442695020e+00, v11;
	v7 =	vmul.f32 $1.442695020e+00, v7;
	_ =	sdelay $0x1  }
0xcc: {  	v9 =	vpop (erf);
	v10 =	vld [tilespmem:$0x1FEF0];
	v6 =	vmul.f32 $1.442695020e+00, v6;
	(erf) = vpow2.f32 v11  }
0xcd: {  	v3 =	vadd.f32 v60, v3;
	v60 =	vld [tilespmem:$0x1FEB0];
	(erf) = vpow2.f32 v7  }
0xce: {  	v7 =	vpop (erf);
	(erf) = vpow2.f32 v6;
	v6 =	vadd.f32 v20, v59;
	v20 =	vld [tilespmem:$0x1FED0]  }
0xcf: {  	v53 =	vmul.f32 v48, v62  }
0xd0: {  	v12 =	vmul.f32 v9, v43;
	v62 =	vmul.f32 v9, v29  }
0xd1: {  	v19 =	vmul.f32 v9, v24;
	v13 =	vmul.f32 v9, v40  }
0xd2: {  	v14 =	vmul.f32 v9, v33;
	v10 =	vadd.f32 v10, v61;
	v61 =	vmul.f32 v9, v17  }
0xd3: {  	v11 =	vmul.f32 v9, v60;
	v20 =	vmul.f32 v9, v20;
	v9 =	vadd.f32 v7, v9;
	_ =	sdelay $0x3  }
0xd4: {  	v8 =	vadd.f32 v9, v53;
	v9 =	vpop (erf)  }
0xd5: {  	v15 =	vld [tilespmem:$0x1FF00];
	v63 =	vpop (erf)  }
0xd6: {  	v0 =	vadd.f32 v21, v0;
	v21 =	vld [tilespmem:$0x1FEC0];
	v24 =	vmul.f32 v7, v28;
	v28 =	vpop (erf)  }
0xd7: {  	v5 =	vadd.f32 v49, v5;
	v22 =	vmul.f32 v7, v26;
	v26 =	vmul.f32 v7, v25;
	v25 =	vld [tilespmem:$0x1FEA0];
	_ =	swait.ge [sflag:s14], $0x8000  }
0xd8: {  	v2 =	vadd.f32 v32, v2;
	v53 =	vld [tilespmem:$0x1FF80]  }
0xd9: {  	v5 =	vadd.f32 v5, v55;
	v4 =	vmul.f32 v48, v4;
	v55 =	vld [tilespmem:$0x1FFB0]  }
0xda: {  	v0 =	vadd.f32 v0, v58;
	v2 =	vadd.f32 v2, v56;
	v56 =	vld [tilespmem:$0x1FEE0]  }
0xdb: {  	v4 =	vadd.f32 v19, v4;
	v21 =	vmul.f32 v7, v21;
	v6 =	vadd.f32 v6, v57;
	v57 =	vld [tilespmem:$0x1FF90]  }
0xdc: {  	v58 =	vld [tilespmem:$0x1FFC0]  }
0xdd: {  	v0 =	vmul.f32 v48, v0;
	v4 =	vadd.f32 v4, v21;
	v60 =	vld [tilespmem:$0x1FF60]  }
0xde: {  	v3 =	vmul.f32 v48, v3;
	v10 =	vadd.f32 v10, v15;
	v2 =	vmul.f32 v48, v2;
	v15 =	vld [tilespmem:$0x1FF40]  }
0xdf: {  	v0 =	vadd.f32 v12, v0;
	v4 =	vmul.f32 v9, v4;
	v12 =	vmul.f32 v63, v42;
	v17 =	vld [tilespmem:$0x1FF10]  }
0xe0: {  	v2 =	vadd.f32 v13, v2;
	[sflag:s14] =	ssyncset.done $0x0;
	v13 =	vld [tilespmem:$0x1FFE0]  }
0xe1: {  	s18 =	simm.s32 $0x8180;
	v3 =	vadd.f32 v20, v3;
	v4 =	vadd.f32 v12, v4;
	v12 =	vld [tilespmem:$0x1FFF0];
	[sflag:s14] =	ssyncadd.s32 $0xFFFF8000  }
0xe2: {  	v1 =	vadd.f32 v1, v50;
	v39 =	vld [tilespmem:s18+$0xFFFFFF80]  }
0xe3: {  	v3 =	vadd.f32 v3, v22;
	v22 =	vld [tilespmem:s18+$0xFFFFFF90]  }
0xe4: {  	v1 =	vmul.f32 v48, v1;
	v20 =	vld [tilespmem:s18+$0x10]  }
0xe5: {  	v5 =	vmul.f32 v48, v5;
	v10 =	vmul.f32 v48, v10;
	v50 =	vld [tilespmem:s18+$0x0]  }
0xe6: {  	v16 =	vmul.f32 v7, v45;
	v18 =	vmul.f32 v7, v18;
	v52 =	vld [tilespmem:s18+$0xFFFFFFA0]  }
0xe7: {  	v1 =	vadd.f32 v62, v1;
	v23 =	vmul.f32 v7, v23;
	v6 =	vmul.f32 v48, v6;
	v21 =	vld [tilespmem:s18+$0x20]  }
0xe8: {  	v5 =	vadd.f32 v61, v5;
	v7 =	vmul.f32 v7, v25;
	v8 =	vmul.f32 v9, v8;
	v43 =	vld [tilespmem:s18+$0xFFFFFFB0]  }
0xe9: {  	v6 =	vadd.f32 v14, v6;
	v29 =	vmul.f32 v63, v31;
	v37 =	vmul.f32 v63, v30;
	v51 =	vld [tilespmem:s18+$0x30]  }
0xea: {  	v1 =	vadd.f32 v1, v18;
	v14 =	vmul.f32 v63, v38;
	v18 =	vmul.f32 v63, v44;
	v31 =	vld [tilespmem:s18+$0x40]  }
0xeb: {  	v6 =	vadd.f32 v6, v24;
	v24 =	vmul.f32 v28, v46;
	[tilespmem:$0x1FD20] =	vst v20;
	v62 =	vmul.f32 v20, v17;
	v20 =	vld [tilespmem:$0x1FF50]  }
0xec: {  	v10 =	vadd.f32 v11, v10;
	v35 =	vmul.f32 v28, v36;
	v32 =	vmul.f32 v28, v41;
	v41 =	vld [tilespmem:s18+$0xFFFFFFD0]  }
0xed: {  	v5 =	vadd.f32 v5, v7;
	v34 =	vmul.f32 v28, v27;
	[tilespmem:$0x1FE10] =	vst v39;
	v7 =	vmul.f32 v39, v15;
	v39 =	vld [tilespmem:$0x1FF20]  }
0xee: {  	v10 =	vadd.f32 v10, v16;
	v25 =	vmul.f32 v63, v53;
	v16 =	vmul.f32 v63, v55;
	v53 =	vld [tilespmem:s18+$0xFFFFFFC0]  }
0xef: {  	v11 =	vmul.f32 v63, v56;
	[tilespmem:$0x1FE20] =	vst v22;
	v61 =	vmul.f32 v22, v17;
	v22 =	vld [tilespmem:$0x1FFA0]  }
0xf0: {  	v0 =	vadd.f32 v0, v23;
	v45 =	vmul.f32 v28, v57;
	[tilespmem:$0x1FD30] =	vst v21;
	v40 =	vmul.f32 v21, v20;
	v21 =	vld [tilespmem:$0x1FF70]  }
0xf1: {  	v23 =	vmul.f32 v28, v58;
	v27 =	vmul.f32 v28, v60;
	v7 =	vadd.f32 v61, v7;
	v61 =	vld [tilespmem:$0x1FFD0]  }
0xf2: {  	v59 =	vadd.f32 v28, v63;
	v63 =	vmul.f32 v50, v15;
	v33 =	vmul.f32 v28, v39;
	v28 =	vld [tilespmem:s18+$0x50]  }
0xf3: {  	v2 =	vadd.f32 v2, v26;
	v19 =	vmul.f32 v9, v10;
	v48 =	vld [tilespmem:s18+$0xFFFFFFF0];
	v26 =	vmul.f32 v52, v20  }
0xf4: {  	v3 =	vmul.f32 v9, v3;
	v44 =	vadd.f32 v59, v8;
	v57 =	vld [tilespmem:s18+$0xFFFFFFE0];
	v8 =	vadd.f32 v62, v63  }
0xf5: {  	s25 =	simm.s32 $0x8280;
	v1 =	vmul.f32 v9, v1;
	v55 =	vld [tilespmem:s18+$0x60];
	v7 =	vadd.f32 v26, v7;
	v42 =	vmul.f32 v43, v21  }
0xf6: {  	v3 =	vadd.f32 v18, v3;
	v62 =	vld [tilespmem:s25+$0xFFFFFF80];
	v8 =	vadd.f32 v40, v8;
	v26 =	vmul.f32 v51, v21  }
0xf7: {  	v46 =	vmul.f32 v53, v22;
	[tilespmem:$0x1FD60] =	vst v28;
	v60 =	vmul.f32 v28, v61;
	v28 =	vld [tilespmem:s25+$0xFFFFFF90];
	v7 =	vadd.f32 v42, v7  }
0xf8: {  	v1 =	vadd.f32 v14, v1;
	v58 =	vld [tilespmem:s18+$0x70];
	v47 =	vmul.f32 v31, v22;
	v8 =	vadd.f32 v26, v8  }
0xf9: {  	v18 =	vadd.f32 v4, v24;
	v49 =	vmul.f32 v41, v61;
	v26 =	vld [tilespmem:s25+$0xFFFFFFA0];
	v7 =	vadd.f32 v46, v7  }
0xfa: {  	v10 =	vld [tilespmem:s25+$0x10];
	v59 =	vadd.f32 v3, v35;
	v63 =	vmul.f32 v57, v13;
	v8 =	vadd.f32 v47, v8  }
0xfb: {  	v30 =	vld [tilespmem:s25+$0xFFFFFFB0];
	v38 =	vmul.f32 v55, v13;
	v39 =	vmul.f32 v48, v12;
	v7 =	vadd.f32 v49, v7  }
0xfc: {  	[tilespmem:$0x1FD50] =	vst v41;
	v41 =	vld [tilespmem:s25+$0x0];
	v46 =	vmul.f32 v62, v15;
	v24 =	vmul.f32 v28, v17;
	v8 =	vadd.f32 v60, v8  }
0xfd: {  	v40 =	vmul.f32 v58, v12;
	[tilespmem:$0x1FD70] =	vst v62;
	v42 =	vld [tilespmem:s25+$0x20];
	v62 =	vadd.f32 v1, v23;
	v7 =	vadd.f32 v63, v7  }
0xfe: {  	v47 =	vld [tilespmem:s25+$0xFFFFFFC0];
	v1 =	vmul.f32 v26, v20;
	v3 =	vadd.f32 v24, v46;
	v8 =	vadd.f32 v38, v8  }
0xff: {  	v5 =	vmul.f32 v9, v5;
	v2 =	vmul.f32 v9, v2;
	v49 =	vld [tilespmem:s25+$0x30];
	v4 =	vadd.f32 v39, v7  }
0x100: {  	v23 =	vmovc v10;
	v1 =	vadd.f32 v1, v3;
	v3 =	vmul.f32 v10, v17;
	v10 =	vld [tilespmem:$0x1FF30];
	v7 =	vadd.f32 v40, v8  }
0x101: {  	v0 =	vmul.f32 v9, v0;
	v6 =	vmul.f32 v9, v6;
	v2 =	vadd.f32 v37, v2;
	v46 =	vld [tilespmem:s25+$0x60];
	(xrf2) =	vadd.scan.msk.f32 $0xffff, v4  }
0x102: {  	s19 =	sadd.s32 $0xFFFFFF00, s17;
	v5 =	vadd.f32 v11, v5;
	v9 =	vadd.f32 v16, v19;
	v60 =	vmul.f32 v41, v15;
	v38 =	vld [tilespmem:s25+$0xFFFFFFD0];
	(xrf2) =	vadd.scan.msk.f32 $0xffff, v7  }
0x103: {  	s20 =	sadd.s32 $0x200, s19;
	v56 =	vld [tilespmem:s25+$0x40];
	v11 =	vimm.s32 $0x0;
	[tilespmem:$0x1FD80] =	vst v28;
	v28 =	vmul.f32 v42, v20;
	v7 =	vmul.f32 v30, v21  }
0x104: {  	s19 =	sadd.s32 $0x201, s19;
	v37 =	vmul.f32 v47, v22;
	v39 =	vld [tilespmem:s25+$0xFFFFFFE0];
	v3 =	vadd.f32 v3, v60;
	v4 =	vmov s20  }
0x105: {  	v63 =	vld [tilespmem:s25+$0x50];
	vm6 =	vlt.s32 v4, v10;
	v4 =	vmov s19;
	v1 =	vadd.f32 v7, v1  }
0x106: {  	v40 =	vld [tilespmem:s25+$0xFFFFFFF0];
	v3 =	vadd.f32 v28, v3;
	vm7 =	vlt.s32 v4, v10;
	v4 =	vmul.f32 v49, v21  }
0x107: {  	[tilespmem:$0x1FD90] =	vst v41;
	v19 =	vmul.f32 v46, v13;
	v41 =	vmul.f32 v38, v61;
	v1 =	vadd.f32 v37, v1  }
0x108: {  	[tilespmem:$0x1FDC0] =	vst v56;
	v7 =	vsel vm6, $0x1, v11;
	v37 =	vmul.f32 v56, v22;
	v3 =	vadd.f32 v4, v3  }
0x109: {  	v36 =	vld [tilespmem:s25+$0x70];
	[tilespmem:$0x1FDA0] =	vst v47;
	v47 =	vmul.f32 v39, v13;
	v7 =	vbroadcast v7, $0x0;
	v1 =	vadd.f32 v41, v1  }
0x10a: {  	v24 =	vmovc v42;
	[tilespmem:$0x1FDB0] =	vst v49;
	v42 =	vsel vm7, $0x1, v11;
	v56 =	vmul.f32 v63, v61;
	v3 =	vadd.f32 v37, v3  }
0x10b: {  	[tilespmem:$0x1FDE0] =	vst v63;
	v63 =	vmul.f32 v40, v12;
	v4 =	vand.u32 $0x1, v7;
	v1 =	vadd.f32 v47, v1;
	v49, _, _ =	vpop (xrf2)  }
0x10c: {  	v7 =	vbroadcast v42, $0x0;
	vm9 =	veq.s32 v4, $0x1;
	v3 =	vadd.f32 v56, v3;
	v60, _, _ =	vpop (xrf2)  }
0x10d: {  	v35 =	vmul.f32 $8.838834610e-02, v49;
	v1 =	vadd.f32 v63, v1;
	v14 =	vmul.f32 $8.838834610e-02, v60  }
0x10e: {  	v4 =	vmul.f32 v36, v12;
	v7 =	vand.u32 $0x1, v7;
	v3 =	vadd.f32 v19, v3  }
0x10f: {  	vm8 =	veq.s32 v7, $0x1;
	v7 =	vbroadcast v35, $0xF;
	(xrf2) =	vadd.scan.msk.f32 $0xffff, v1;
	v42 =	vbroadcast v14, $0xF  }
0x110: {  	s26 =	sadd.s32 $0xFFFFFF02, s17;
	s29 =	simm.s32 $0x8380;
	v3 =	vadd.f32 v4, v3  }
0x111: {  	s28 =	sadd.s32 $0x200, s26;
	v4 =	vadd.f32 v25, v6;
	v25 =	vld [tilespmem:s29+$0xFFFFFF90];
	v1 =	vnsel vm9, $0xF149F2CA, v7;
	v7 =	vnsel vm8, $0xF149F2CA, v42  }
0x112: {  	v49 =	vadd.f32 v9, v45;
	v6 =	vmov s28;
	v45 =	vmax.f32 v1, v7  }
0x113: {  	v0 =	vadd.f32 v29, v0;
	vm10 =	vlt.s32 v6, v10;
	(xrf2) =	vadd.scan.msk.f32 $0xffff, v3;
	v3 =	vld [tilespmem:s29+$0xFFFFFF80];
	v9 =	vmax.f32 v54, v45  }
0x114: {  	v8 =	vadd.f32 v4, v27;
	v4 =	vsel vm10, $0x1, v11;
	v6 =	vsub.f32 v54, v9  }
0x115: {  	s19 =	sadd.s32 $0x201, s26;
	v4 =	vbroadcast v4, $0x0;
	v1 =	vsub.f32 v1, v9;
	v7 =	vsub.f32 v7, v9  }
0x116: {  	v28 =	vld [tilespmem:s29+$0xFFFFFFA0];
	v27 =	vmov s19;
	v54 =	vmul.f32 v25, v17;
	v6 =	vmul.f32 $1.442695020e+00, v6  }
0x117: {  	vm11 =	vlt.s32 v27, v10;
	v1 =	vmul.f32 $1.442695020e+00, v1;
	v7 =	vmul.f32 $1.442695020e+00, v7  }
0x118: {  	[tilespmem:$0x1FDF0] =	vst v46;
	v46 =	vld [tilespmem:s29+$0xFFFFFFB0];
	v29 =	vsel vm11, $0x1, v11;
	(erf) = vpow2.f32 v6;
	v6 =	vmul.f32 v3, v15  }
0x119: {  	v5 =	vadd.f32 v5, v33;
	v33 =	vld [tilespmem:s29+$0x10];
	[tilespmem:$0x1FE00] =	vst v3;
	v3, _, _ =	vpop (xrf2);
	(erf) = vpow2.f32 v1;
	v1 =	vbroadcast v29, $0x0  }
0x11a: {  	v47 =	vadd.f32 v0, v34;
	v0 =	vld [tilespmem:s29+$0xFFFFFFC0];
	(erf) = vpow2.f32 v7;
	v7 =	vmul.f32 $8.838834610e-02, v3  }
0x11b: {  	[tilespmem:$0x1FDD0] =	vst v39;
	v39 =	vld [tilespmem:s29+$0x30];
	v56 =	vmul.f32 v28, v20;
	v6 =	vadd.f32 v54, v6;
	v1 =	vand.u32 $0x1, v1  }
0x11c: {  	v14 =	vld [tilespmem:s29+$0xFFFFFFD0];
	v4 =	vand.u32 $0x1, v4;
	vm12 =	veq.s32 v1, $0x1;
	v1 =	vbroadcast v7, $0xF  }
0x11d: {  	v63 =	vmul.f32 v46, v21;
	vm13 =	veq.s32 v4, $0x1;
	v3 =	vld [tilespmem:s29+$0x0];
	v6 =	vadd.f32 v56, v6  }
0x11e: {  	s30 =	sadd.s32 $0xFFFFFF04, s17;
	v41 =	vld [tilespmem:s29+$0xFFFFFFE0];
	v7, _, _ =	vpop (xrf2);
	v4 =	vnsel vm13, $0xF149F2CA, v1  }
0x11f: {  	s31 =	sadd.s32 $0x200, s30;
	v42 =	vld [tilespmem:s29+$0x20];
	v6 =	vadd.f32 v63, v6;
	v1 =	vmul.f32 $8.838834610e-02, v7;
	v7 =	vmul.f32 v0, v22  }
0x120: {  	v2 =	vadd.f32 v2, v32;
	[tilespmem:$0x1FD40] =	vst v31;
	v31 =	vmovc v30;
	v16 =	vmul.f32 v33, v17;
	v32 =	vmovc v46;
	v60 =	vmov s31  }
0x121: {  	v63 =	vpop (erf);
	v1 =	vbroadcast v1, $0xF;
	v6 =	vadd.f32 v7, v6;
	v7 =	vmul.f32 v14, v61  }
0x122: {  	v46 =	vld [tilespmem:s29+$0xFFFFFFF0];
	vm14 =	vlt.s32 v60, v10;
	v34 =	vmovc v3;
	v19 =	vmul.f32 v3, v15;
	v3 =	vmul.f32 v63, v2  }
0x123: {  	v37 =	vld [tilespmem:s29+$0x40];
	v30 =	vmovc v0;
	v35 =	vmovc v14;
	v2 =	vnsel vm12, $0xF149F2CA, v1;
	v1 =	vadd.f32 v7, v6;
	v6 =	vmul.f32 v41, v13  }
0x124: {  	v15 =	vmul.f32 v39, v21;
	v14 =	vmul.f32 v42, v20;
	v0 =	vadd.f32 v16, v19;
	v56 =	vpop (erf)  }
0x125: {  	v45 =	vld [tilespmem:s29+$0x50];
	v7 =	vmul.f32 v56, v43;
	v6 =	vadd.f32 v6, v1;
	v1 =	vmul.f32 v63, v8  }
0x126: {  	v60 =	vmul.f32 v63, v5;
	v16 =	vmul.f32 v63, v59;
	v0 =	vadd.f32 v14, v0  }
0x127: {  	v48 =	vmul.f32 v56, v48;
	v43 =	vld [tilespmem:s29+$0x60];
	v1 =	vadd.f32 v7, v1;
	v7 =	vmul.f32 v46, v12  }
0x128: {  	v5 =	vmul.f32 v37, v22;
	v59 =	vmul.f32 v63, v44;
	v0 =	vadd.f32 v15, v0  }
0x129: {  	v8 =	vadd.f32 v48, v16;
	v6 =	vadd.f32 v7, v6;
	v7 =	vmax.f32 v4, v2  }
0x12a: {  	v44 =	vld [tilespmem:s29+$0x70];
	v0 =	vadd.f32 v5, v0;
	v5 =	vmul.f32 v45, v61;
	v48 =	vmax.f32 v9, v7  }
0x12b: {  	v9 =	vsub.f32 v9, v48  }
0x12c: {  	s19 =	sadd.s32 $0x201, s30;
	v0 =	vadd.f32 v5, v0;
	v5 =	vmul.f32 v43, v13;
	v4 =	vsub.f32 v4, v48  }
0x12d: {  	v17 =	vmov s19;
	v7 =	vmul.f32 v63, v18;
	v9 =	vmul.f32 $1.442695020e+00, v9  }
0x12e: {  	vm15 =	vlt.s32 v17, v10;
	v18 =	vmul.f32 v63, v49;
	v4 =	vmul.f32 $1.442695020e+00, v4  }
0x12f: {  	v49 =	vmul.f32 v44, v12;
	v0 =	vadd.f32 v5, v0;
	(erf) = vpow2.f32 v9  }
0x130: {  	v19 =	vsel vm14, $0x1, v11;
	v57 =	vmul.f32 v56, v57;
	v54 =	vpop (erf);
	(erf) = vpow2.f32 v4;
	v4 =	vld [tilespmem:$0x1FE10]  }
0x131: {  	v52 =	vmul.f32 v56, v52;
	v17 =	vmul.f32 v54, v58;
	v0 =	vadd.f32 v49, v0  }
0x132: {  	v55 =	vmul.f32 v54, v55;
	v5 =	vmul.f32 v63, v47;
	v2 =	vsub.f32 v2, v48;
	(xrf2) =	vadd.scan.msk.f32 $0xffff, v6  }
0x133: {  	v7 =	vadd.f32 v57, v7;
	v57 =	vadd.f32 v8, v17;
	v8 =	vbroadcast v19, $0x0;
	(xrf2) =	vadd.scan.msk.f32 $0xffff, v0;
	v0 =	vld [tilespmem:$0x1FE20]  }
0x134: {  	v61 =	vmul.f32 v63, v62;
	v62 =	vadd.f32 v52, v5;
	v2 =	vmul.f32 $1.442695020e+00, v2  }
0x135: {  	v52 =	vadd.f32 v7, v55;
	v49 =	vand.u32 $0x1, v8;
	v4 =	vmul.f32 v56, v4  }
0x136: {  	v55 =	vsel vm15, $0x1, v11;
	v7 =	vmul.f32 v56, v53;
	v53 =	vadd.f32 v54, v56  }
0x137: {  	(erf) = vpow2.f32 v2;
	v2 =	vmul.f32 v54, v51;
	v5 =	vadd.f32 v4, v3  }
0x138: {  	s18 =	simm.s32 $0xFFFFFF06;
	s19 =	simm.s32 $0x8480;
	v47 =	vmovc v48;
	v3 =	vmul.f32 v54, v50;
	v4 =	vmul.f32 v56, v0;
	v0 =	vadd.f32 v7, v18  }
.LBB2_4:
0x139: {  	v6 =	vld [tilespmem:s19+$0xFFFFFF80]  }
0x13a: {  	v50 =	vld [tilespmem:s19+$0xFFFFFFC0]  }
0x13b: {  	v9 =	vld [tilespmem:s19+$0x20]  }
0x13c: {  	v10 =	vld [tilespmem:$0x1FD60]  }
0x13d: {  	v15 =	vld [tilespmem:$0x1FDE0]  }
0x13e: {  	v51 =	vld [tilespmem:s19+$0xFFFFFFA0]  }
0x13f: {  	v17 =	vld [tilespmem:$0x1FD30]  }
0x140: {  	v58 =	vld [tilespmem:s19+$0xFFFFFF90]  }
0x141: {  	v19 =	vld [tilespmem:$0x1FDC0]  }
0x142: {  	v22 =	vld [tilespmem:$0x1FF40]  }
0x143: {  	v12 =	vld [tilespmem:$0x1FF30]  }
0x144: {  	v7 =	vmov v38;
	v8 =	vmov v23;
	v23 =	vld [tilespmem:$0x1FF10]  }
0x145: {  	v1 =	vadd.f32 v1, v2;
	v2 =	vld [tilespmem:$0x1FD50];
	[tilespmem:$0x1FD50] =	vst v7;
	v7 =	vbroadcast v55, $0x0  }
0x146: {  	v3 =	vadd.f32 v5, v3;
	v5 =	vld [tilespmem:$0x1FD20]  }
0x147: {  	v16 =	vmov v45;
	v45 =	vld [tilespmem:s19+$0x50];
	v7 =	vand.u32 $0x1, v7  }
0x148: {  	vm0 =	veq.s32 v7, $0x1;
	v7 =	vld [tilespmem:$0x1FD40]  }
0x149: {  	s20 =	sadd.s32 s18, s17;
	v29 =	vmovc v25;
	v18 =	vmov v24;
	vm15 =	veq.s32 v49, $0x1;
	v4 =	vadd.f32 v4, v60;
	[tilespmem:$0x1FDE0] =	vst v16;
	v16 =	vld [tilespmem:$0x1FF50]  }
0x14a: {  	v25 =	vmovc v33;
	v20 =	vld [tilespmem:$0x1FF70];
	s21 =	sadd.s32 $0x200, s20;
	v38 =	vadd.f32 v53, v59;
	v14 =	vmul.f32 v54, v10;
	v53 =	vmul.f32 v54, v17  }
0x14b: {  	v33 =	vmovc v37;
	v24 =	vld [tilespmem:$0x1FFD0];
	[tilespmem:$0x1FD20] =	vst v8;
	v63 =	vmov s21;
	v11 =	vmovc v15;
	v2 =	vmul.f32 v56, v2;
	v5 =	vmul.f32 v54, v5  }
0x14c: {  	[tilespmem:$0x1FD30] =	vst v18;
	v13 =	vmovc v19;
	v59 =	vmul.f32 v6, v22;
	vm1 =	vlt.s32 v63, v12;
	v17 =	vimm.s32 $0x0;
	v19 =	vld [tilespmem:$0x1FE00];
	v18 =	vmovc v6  }
0x14d: {  	[tilespmem:$0x1FE00] =	vst v18;
	v18 =	vld [tilespmem:$0x1FFA0];
	v2 =	vadd.f32 v2, v61;
	v37, _, _ =	vpop (xrf2);
	v4 =	vadd.f32 v4, v5;
	v7 =	vmul.f32 v54, v7  }
0x14e: {  	s20 =	sadd.s32 $0x201, s20;
	[tilespmem:$0x1FD60] =	vst v11;
	v5 =	vsel vm1, $0x1, v17;
	v11 =	vpop (erf);
	v61 =	vmul.f32 v51, v16;
	v8 =	vmul.f32 $8.838834610e-02, v37;
	v37 =	vld [tilespmem:s19+$0x40]  }
0x14f: {  	v63 =	vmul.f32 v11, v3;
	v3 =	vld [tilespmem:s19+$0xFFFFFFB0];
	v7 =	vadd.f32 v0, v7;
	v0 =	vmov s20  }
0x150: {  	[tilespmem:$0x1FDC0] =	vst v33;
	v33 =	vld [tilespmem:s19+$0x10];
	v16 =	vmul.f32 v9, v16;
	v56 =	vpop (erf);
	vm14 =	vlt.s32 v0, v12;
	v12 =	vmul.f32 v58, v23  }
0x151: {  	v27 =	vmovc v26;
	v10 =	vld [tilespmem:s19+$0x0];
	v5 =	vbroadcast v5, $0x0;
	v2 =	vadd.f32 v2, v14;
	v14 =	vmul.f32 v56, v31  }
0x152: {  	v26 =	vmovc v42;
	v15 =	vld [tilespmem:s19+$0x30];
	v19 =	vmovc v19;
	v55 =	vsel vm14, $0x1, v17;
	v17 =	vmul.f32 v56, v40;
	v40 =	vadd.f32 v12, v59  }
0x153: {  	v60 =	vmul.f32 v11, v4;
	v4 =	vadd.f32 v62, v53;
	v31 =	vmovc v32;
	v62 =	vld [tilespmem:s19+$0xFFFFFFD0];
	v6 =	vmul.f32 v50, v18  }
0x154: {  	v0 =	vld [tilespmem:$0x1FD70];
	v12 =	vmul.f32 v37, v18;
	v18 =	vmul.f32 v3, v20;
	v32 =	vmovc v3;
	v3 =	vadd.f32 v61, v40  }
0x155: {  	v42 =	vmovc v9;
	v9 =	vmul.f32 v45, v24;
	v57 =	vmul.f32 v11, v57;
	v5 =	vand.u32 $0x1, v5;
	[tilespmem:$0x1FD70] =	vst v19;
	v19 =	vld [tilespmem:s19+$0xFFFFFFE0]  }
0x156: {  	v49 =	vmovc v5;
	v3 =	vadd.f32 v18, v3;
	v18 =	vmul.f32 v11, v52;
	v52 =	vmul.f32 v10, v22;
	v22 =	vld [tilespmem:$0x1FFE0]  }
0x157: {  	v5 =	vmul.f32 v33, v23;
	v23 =	vmovc v25;
	v25 =	vmovc v39;
	v39 =	vmov v15;
	v20 =	vmul.f32 v15, v20;
	v15 =	vld [tilespmem:$0x1FFF0]  }
0x158: {  	v21 =	vmul.f32 v11, v4;
	v61 =	vmul.f32 v11, v2;
	v40 =	vmov v46;
	v46 =	vld [tilespmem:s19+$0xFFFFFFF0]  }
0x159: {  	v4 =	vld [tilespmem:s19+$0x60];
	v2 =	vadd.f32 v6, v3;
	v3 =	vmul.f32 v62, v24;
	v5 =	vadd.f32 v5, v52  }
0x15a: {  	[tilespmem:$0x1FD40] =	vst v13;
	v13, _, _ =	vpop (xrf2);
	v1 =	vmul.f32 v11, v1;
	v59 =	vmul.f32 v11, v38;
	v38 =	vmov v35  }
0x15b: {  	v35 =	vmovc v62;
	v3 =	vadd.f32 v3, v2;
	v5 =	vadd.f32 v16, v5;
	v62 =	vmul.f32 v19, v22  }
0x15c: {  	v13 =	vmul.f32 $8.838834610e-02, v13;
	v6 =	vmul.f32 v11, v7  }
0x15d: {  	v7 =	vld [tilespmem:s19+$0x70];
	v52 =	vmul.f32 v46, v15;
	v5 =	vadd.f32 v20, v5;
	v3 =	vadd.f32 v62, v3  }
0x15e: {  	v8 =	vbroadcast v8, $0xF;
	v2 =	vld [tilespmem:$0x1FDB0];
	v16 =	vmul.f32 v4, v22;
	v20 =	vmovc v43;
	v43 =	vmovc v4;
	v4 =	vmov v34  }
0x15f: {  	v54 =	vpop (erf);
	v13 =	vbroadcast v13, $0xF;
	v11 =	vadd.f32 v52, v3;
	v3 =	vld [tilespmem:$0x1FD90];
	[tilespmem:$0x1FD90] =	vst v4;
	v4 =	vadd.f32 v12, v5  }
0x160: {  	v53 =	vadd.f32 v54, v56;
	v1 =	vadd.f32 v14, v1;
	v62 =	vld [tilespmem:$0x1FDF0]  }
0x161: {  	v8 =	vnsel vm15, $0xF149F2CA, v8;
	v13 =	vnsel vm0, $0xF149F2CA, v13;
	v9 =	vadd.f32 v9, v4;
	v4 =	vld [tilespmem:$0x1FDA0]  }
0x162: {  	v0 =	vmul.f32 v56, v0;
	v24 =	vmovc v26;
	v26 =	vmov v28;
	v5 =	vmax.f32 v8, v13;
	v52 =	vld [tilespmem:$0x1FDD0]  }
0x163: {  	v28 =	vmovc v51;
	v15 =	vmul.f32 v7, v15;
	v2 =	vmul.f32 v54, v2;
	v48 =	vmax.f32 v48, v5  }
0x164: {  	[tilespmem:$0x1FDB0] =	vst v25;
	v5 =	vadd.f32 v17, v57;
	v57 =	vmul.f32 v54, v36;
	v36 =	vsub.f32 v47, v48  }
0x165: {  	v25 =	vmovc v58;
	v8 =	vsub.f32 v8, v48;
	v13 =	vsub.f32 v13, v48;
	v47 =	vmul.f32 v56, v27  }
0x166: {  	[tilespmem:$0x1FDF0] =	vst v20;
	(xrf2) =	vadd.scan.msk.f32 $0xffff, v11;
	v14 =	vmul.f32 v54, v62;
	v20 =	vmul.f32 v56, v4;
	v4 =	vmovc v30  }
0x167: {  	p0 =	sne.s32 s18, $0xFFFFFFFE;
	v62 =	vmovc v41;
	v57 =	vadd.f32 v5, v57;
	v41 =	vmul.f32 $1.442695020e+00, v36;
	v12 =	vmul.f32 v56, v52;
	[tilespmem:$0x1FDA0] =	vst v4;
	v4 =	vld [tilespmem:$0x1FD80]  }
.Ltmp1:
0x168: {  	v34 =	vmovc v10;
	[tilespmem:$0x1FDD0] =	vst v62;
	v9 =	vadd.f32 v16, v9;
	v8 =	vmul.f32 $1.442695020e+00, v8;
	v62 =	vadd.f32 v47, v21;
	(pc) =	sbr.rel @p0 .LBB2_4-.Ltmp1, $4  }
0x169: {  	v5 =	vmovc v29;
	(erf) = vpow2.f32 v41;
	v30 =	vmovc v50;
	v12 =	vadd.f32 v12, v18;
	v50 =	vmul.f32 $1.442695020e+00, v13  }
0x16a: {  	v3 =	vmul.f32 v54, v3;
	v36 =	vmovc v44;
	(erf) = vpow2.f32 v8;
	[tilespmem:$0x1FD80] =	vst v5;
	v5 =	vadd.f32 v15, v9  }
0x16b: {  	v44 =	vmovc v7;
	v47 =	vmovc v48;
	v41 =	vmov v19;
	v52 =	vadd.f32 v12, v14;
	(erf) = vpow2.f32 v50  }
0x16c: {  	s18 =	sadd.s32 $0x2, s18;
	s19 =	sadd.s32 $0x100, s19;
	(xrf2) =	vadd.scan.msk.f32 $0xffff, v5;
	v5 =	vadd.f32 v0, v63;
	v0 =	vadd.f32 v20, v6;
	v4 =	vmul.f32 v56, v4  }
0x16d: {  	v6 =	vld [tilespmem:$0x1FF30];
	_ =	sdelay $0x4  }
0x16e: {  	(v2sf) =	vpush v6, $0x0;
	_ =	sdelay $0x5  }
0x16f: {  	v7 =	vld [tilespmem:$0x1FD60]  }
0x170: {  	v10 =	vld [tilespmem:$0x1FD30]  }
0x171: {  	v50 =	vld [tilespmem:$0x1FD40]  }
0x172: {  	v3 =	vadd.f32 v5, v3;
	v5 =	vld [tilespmem:$0x1FD20]  }
0x173: {  	v29 =	vbroadcast v55, $0x0  }
0x174: {  	v1 =	vadd.f32 v1, v2;
	v8, _, _ =	vpop (xrf2)  }
0x175: {  	v2 =	vand.u32 $0x1, v29;
	v8 =	vmul.f32 $8.838834610e-02, v8;
	v7 =	vmul.f32 v54, v7  }
0x176: {  	vm0 =	veq.s32 v2, $0x1;
	v6 =	vld [tilespmem:$0x1FD50];
	v10 =	vmul.f32 v54, v10;
	v2 =	vmul.f32 v54, v50;
	v12, _, _ =	vpop (xrf2)  }
0x177: {  	v9 =	vadd.f32 v53, v59;
	v11 =	vpop (erf);
	v5 =	vmul.f32 v54, v5;
	v12 =	vmul.f32 $8.838834610e-02, v12  }
0x178: {  	vm1 =	veq.s32 v49, $0x1;
	v3 =	vmul.f32 v11, v3;
	v51 =	vbroadcast v8, $0xF;
	s17 =	spop (v2sf)  }
0x179: {  	v4 =	vadd.f32 v4, v60;
	v15 =	vmul.f32 v11, v57;
	v8 =	vbroadcast v12, $0xF;
	p0 =	slt.s32 s17, $0x200  }
0x17a: {  	v9 =	vmul.f32 v11, v9;
	v18 =	vmul.f32 v11, v52;
	v0 =	vadd.f32 v0, v2;
	s17 =	simm.s32 @!p0 $0x200  }
0x17b: {  	v2 =	vnsel vm1, $0xF149F2CA, v51;
	v6 =	vmul.f32 v56, v6;
	v8 =	vnsel vm0, $0xF149F2CA, v8;
	s17 =	ssub.s32 $0x200, s17  }
0x17c: {  	v1 =	vmul.f32 v11, v1;
	v10 =	vadd.f32 v62, v10;
	v17 =	vmax.f32 v2, v8;
	p0 =	sgt.s32 s17, $0x0  }
0x17d: {  	v4 =	vadd.f32 v4, v5;
	v6 =	vadd.f32 v6, v61;
	v17 =	vmax.f32 v48, v17;
	s17 =	simm.s32 @!p0 $0x0  }
0x17e: {  	v5 =	vld [tilespmem:$0x1FD70];
	v10 =	vmul.f32 v11, v10;
	v0 =	vmul.f32 v11, v0;
	v19 =	vsub.f32 v47, v17;
	s17 =	scvt.s32.f32 s17  }
0x17f: {  	v4 =	vmul.f32 v11, v4;
	v6 =	vadd.f32 v6, v7;
	v2 =	vsub.f32 v2, v17  }
0x180: {  	v8 =	vsub.f32 v8, v17;
	v54 =	vmul.f32 $1.442695020e+00, v19;
	v55 =	vmov s17  }
0x181: {  	v7 =	vpop (erf);
	v56 =	vmax.f32 v17, $0.0e+00;
	v2 =	vmul.f32 $1.442695020e+00, v2;
	vm15 =	vgt.f32 v55, $0.0e+00  }
0x182: {  	v14 =	vpop (erf);
	v8 =	vmul.f32 $1.442695020e+00, v8;
	(erf) = vpow2.f32 v54;
	v57 =	vsel vm15, v56, v17  }
0x183: {  	v5 =	vmul.f32 v7, v5;
	(erf) = vpow2.f32 v2;
	v59 =	vsub.f32 v17, v57  }
0x184: {  	v58 =	vld [tilespmem:$0x1FDB0];
	v13 =	vmul.f32 v7, v31;
	(erf) = vpow2.f32 v8;
	v8 =	vsub.f32 $0.0e+00, v57  }
0x185: {  	v61 =	vld [tilespmem:$0x1FDD0];
	v53 =	vmul.f32 v7, v40;
	v2 =	vmul.f32 $1.442695020e+00, v59  }
0x186: {  	v21 =	vld [tilespmem:$0x1FD90];
	v6 =	vmul.f32 v11, v6;
	v8 =	vmul.f32 $1.442695020e+00, v8  }
0x187: {  	v20 =	vld [tilespmem:$0x1FDA0];
	v3 =	vadd.f32 v5, v3;
	v5 =	vmul.f32 v7, v38;
	(erf) = vpow2.f32 v2  }
0x188: {  	v63 =	vmul.f32 v7, v26;
	(erf) = vpow2.f32 v8;
	v8 =	vld [tilespmem:$0x1FD80]  }
0x189: {  	v62 =	vmul.f32 v14, v36;
	v23 =	vmul.f32 v14, v23;
	v5 =	vadd.f32 v5, v6;
	v6 =	vld [tilespmem:$0x1FDE0]  }
0x18a: {  	v60 =	vld [tilespmem:$0x1FDF0];
	v16 =	vadd.f32 v14, v7;
	v27 =	vmul.f32 v14, v24;
	v11 =	vmul.f32 v7, v61  }
0x18b: {  	v31 =	vld [tilespmem:$0x1FDC0];
	v1 =	vadd.f32 v13, v1;
	v12 =	vadd.f32 v53, v15;
	v13 =	vmul.f32 v14, v21  }
0x18c: {  	v10 =	vadd.f32 v63, v10;
	v19 =	vmul.f32 v14, v58;
	v11 =	vadd.f32 v11, v18  }
0x18d: {  	v12 =	vadd.f32 v12, v62;
	v3 =	vadd.f32 v3, v13;
	v8 =	vmul.f32 v7, v8  }
0x18e: {  	v10 =	vadd.f32 v10, v27;
	v1 =	vadd.f32 v1, v19;
	v6 =	vmul.f32 v14, v6;
	v22 =	vpop (erf)  }
0x18f: {  	v2 =	vmul.f32 v7, v20;
	v7 =	vpop (erf);
	v4 =	vadd.f32 v8, v4;
	v8 =	vadd.f32 v16, v9  }
0x190: {  	v5 =	vadd.f32 v5, v6;
	v17 =	vmul.f32 v14, v60;
	v14 =	vmul.f32 v14, v31;
	v26 =	vpop (erf)  }
0x191: {  	v3 =	vmul.f32 v22, v3;
	v29 =	vadd.f32 v26, v7;
	v8 =	vmul.f32 v22, v8  }
0x192: {  	v12 =	vmul.f32 v22, v12;
	v11 =	vadd.f32 v11, v17;
	v0 =	vadd.f32 v2, v0  }
0x193: {  	v10 =	vmul.f32 v22, v10;
	v5 =	vmul.f32 v22, v5;
	v40 =	vpop (erf);
	v8 =	vadd.f32 v29, v8  }
0x194: {  	v1 =	vmul.f32 v22, v1;
	v11 =	vmul.f32 v22, v11;
	v0 =	vadd.f32 v0, v14;
	v47 =	vpop (erf)  }
0x195: {  	v36 =	vld [tilespmem:$0x1FE00];
	v6 =	vmul.f32 v40, v8;
	v8 =	vmul.f32 s17, v47  }
0x196: {  	v0 =	vmul.f32 v22, v0;
	v38 =	vmul.f32 v7, v32  }
0x197: {  	v46 =	vmul.f32 v7, v46;
	v49 =	vmul.f32 v7, v41;
	v6 =	vadd.f32 v8, v6  }
0x198: {  	v51 =	vmul.f32 v7, v25;
	v52 =	vmul.f32 v7, v28  }
0x199: {  	v53 =	vmul.f32 v7, v30;
	(erf) = vrcp.f32 v6  }
0x19a: {  	v56 =	vmul.f32 v7, v35;
	v9 =	vmul.f32 v7, v36;
	v4 =	vadd.f32 v4, v23  }
0x19b: {  	v48 =	vmul.f32 v26, v39;
	v50 =	vmul.f32 v26, v44  }
0x19c: {  	v1 =	vadd.f32 v38, v1;
	v12 =	vadd.f32 v46, v12;
	v4 =	vmul.f32 v22, v4  }
0x19d: {  	v11 =	vadd.f32 v49, v11;
	v3 =	vadd.f32 v9, v3;
	v8 =	vmul.f32 v26, v34  }
0x19e: {  	v55 =	vmul.f32 v26, v33;
	v54 =	vadd.f32 v52, v10;
	v4 =	vadd.f32 v51, v4  }
0x19f: {  	v0 =	vadd.f32 v53, v0;
	v3 =	vadd.f32 v3, v8;
	v8 =	vmul.f32 v26, v42  }
0x1a0: {  	v7 =	vmul.f32 v26, v37;
	v2 =	vadd.f32 v56, v5;
	v4 =	vadd.f32 v4, v55  }
0x1a1: {  	v5 =	vmul.f32 v26, v45;
	v8 =	vadd.f32 v54, v8;
	v3 =	vmul.f32 v40, v3  }
0x1a2: {  	v1 =	vadd.f32 v1, v48;
	v6 =	vmul.f32 v26, v43;
	v4 =	vmul.f32 v40, v4;
	v57 =	vpop (erf)  }
0x1a3: {  	v0 =	vadd.f32 v0, v7;
	v7 =	vmul.f32 v40, v8;
	v3 =	vmul.f32 v57, v3  }
0x1a4: {  	v2 =	vadd.f32 v2, v5;
	v1 =	vmul.f32 v40, v1;
	v4 =	vmul.f32 v57, v4  }
0x1a5: {  	v0 =	vmul.f32 v0, v40;
	v5 =	vadd.f32 v11, v6;
	v58 =	vmul.f32 v57, v7;
	[tilespmem:$0x10100] =	vst v3  }
0x1a6: {  	v2 =	vmul.f32 v2, v40;
	v6 =	vadd.f32 v12, v50;
	v1 =	vmul.f32 v57, v1;
	[tilespmem:$0x10110] =	vst v4  }
0x1a7: {  	v59 =	vmul.f32 v5, v40;
	v0 =	vmul.f32 v57, v0;
	[tilespmem:$0x10120] =	vst v58  }
0x1a8: {  	v61 =	vmul.f32 v6, v40;
	v60 =	vmul.f32 v57, v2;
	[tilespmem:$0x10130] =	vst v1  }
0x1a9: {  	v62 =	vmul.f32 v59, v57;
	[tilespmem:$0x10140] =	vst v0  }
0x1aa: {  	s16 =	sadd.s32 $0x1, s16;
	v63 =	vmul.f32 v61, v57;
	[tilespmem:$0x10150] =	vst v60  }
0x1ab: {  	p0 =	sne.s32 s16, s8;
	[tilespmem:$0x10160] =	vst v62  }
.Ltmp2:
0x1ac: {  	[tilespmem:$0x10170] =	vst v63;
	(pc) =	sbr.rel @p0 .LBB2_1-.Ltmp2, $4  }
0x1ad: {  	[hbm4b:s7+s3] =	stream.linear.scatter [tilespmem:s15], [sflag:$0x3], $0x80, $0x38;
	[tilespmem:$0x10180] =	vst v63  }
0x1ae: {  	_ =	swait.ge [sflag:s10], $0x80  }
0x1af: {  	[sflag:s10] =	ssyncset.done $0x0  }
0x1b0: {  	v6 =	vimm.s32 $0x0;
	[sflag:s10] =	ssyncadd.s32 $0xFFFFFF80  }
0x1b1: {  	_ =	sfence.sel $0x180000  }
0x1b2: {  	[bflag:$0x0] =	sbarrier.arrive $0xFFFF  }
0x1b3: {  	p0 =	sne.s32 s2, $0x0;
	_ =	strace $0x90000047  }
0x1b4: {  	s0 =	sadd.s32 @!p0 $0x100000, s0;
	[bflag:$0x2] =	sbarrier.arrive $0xFFFF  }
0x1b5: {  	[sflag:s0] =	ssyncadd.tile.s32 @!p0 $0x1;
	_ =	shalt  }
.Lfunc_end2:
_tile_overlayer_lowered:
.L_overlay_start_2:
0x1b6: {  	(tag) =	ssettag $0x2  }
0x1b7: {  	s0 =	rddreg [dreg:$0x0];
	s2 =	stileid.u32  }
0x1b8: {  	s1 =	rddreg [dreg:$0x1];
	p0 =	sne.s32 s2, $0x0  }
0x1b9: {  	s3 =	rddreg [dreg:$0x2];
	[bflag:$0x3] =	sbarrier.arrive $0xFFFF;
	s2 =	simm.s32 @!p0 $0x1C03  }
0x1ba: {  	[timem:s3], [sflag:s2] =	dma.local @!p0 [hbm:s0], s1  }
0x1bb: {  	s0 =	simm.s32 @!p0 $0x3  }
0x1bc: {  	_ =	swait.ge @!p0 [sflag:s0], s1  }
0x1bd: {  	s1 =	ssub.s32 @!p0 $0x0, s1;
	[sflag:s0] =	ssyncset.done @!p0 $0x0  }
0x1be: {  	[sflag:s0] =	ssyncadd.s32 @!p0 s1  }
0x1bf: {  	[bflag:$0x3] =	sbarrier.arrive $0xFFFF  }
0x1c0: {  	_ =	shalt  }

</sc_bundles>
